<compile_context>
chip_gen: v7x
topology: tpu7x:2x2x1
jax: 0.10.2.dev20260603
libtpu: 0.0.44.dev20260713+nightly
codegen_flags: <defaults>
</compile_context>

<pallas_src>
import functools

import jax
import jax.numpy as jnp
from jax import lax
from jax.experimental import pallas as pl
from jax.experimental.pallas import tpu as pltpu
from jax.experimental.pallas import tpu_sc as plsc

_B = 512
_N = 16
_L = 16
_NC = 2
_NS = 16

_GATHER_DNUMS = lax.GatherDimensionNumbers(
    offset_dims=(), collapsed_slice_dims=(0,), start_index_map=(0,))


def _permute(v, idx):
    return lax.gather(v, idx[:, None], _GATHER_DNUMS, (1,),
                      mode=lax.GatherScatterMode.PROMISE_IN_BOUNDS)


def _butterfly_transpose(vecs):
    lane = lax.iota(jnp.int32, _L)
    for s in (1, 2, 4, 8):
        perm = lane ^ s
        cond = [jnp.asarray((jnp.arange(_L) & s) == (i & s)) for i in range(_L)]
        vecs = [
            jnp.where(cond[i], vecs[i], _permute(vecs[i ^ s], perm))
            for i in range(_L)
        ]
    return vecs


def _build_sc_call():
    mesh = plsc.VectorSubcoreMesh(core_axis_name="c", subcore_axis_name="s")

    @functools.partial(
        pl.kernel,
        mesh=mesh,
        out_type=jax.ShapeDtypeStruct((_B, _N * _N), jnp.float32),
        scratch_types=[
            pltpu.VMEM((_L, _N * _N), jnp.float32),
            pltpu.VMEM((_L, _N * _N), jnp.float32),
        ],
    )
    def sc_stick_breaking(x_hbm, out_hbm, x_v, out_v):
        wid = lax.axis_index("s") * _NC + lax.axis_index("c")
        base = wid * _L
        pltpu.sync_copy(x_hbm.at[pl.ds(base, _L)], x_v)

        zero = jnp.zeros((_L,), jnp.float32)
        one = jnp.ones((_L,), jnp.float32)

        def row_body(m, col_sums):
            rows = [x_v[j, pl.ds(m * _N, _N)] for j in range(_L)]
            xb = _butterfly_transpose(rows)
            suffix = [zero] * _N
            acc = zero
            for n in range(_N - 1, 0, -1):
                acc = acc + col_sums[n]
                suffix[n - 1] = acc
            sum_row = zero
            new_cols = list(col_sums)
            outs = []
            for n in range(_N):
                bv = one / (one + jnp.exp(-xb[n]))
                fl = one - bv
                an = jnp.full((_L,), float(2 - _N + n), jnp.float32) + suffix[n]
                vn = one - new_cols[n]
                lower = jnp.maximum(zero, an - sum_row)
                upper = jnp.minimum(one - sum_row, vn)
                p = fl * lower + bv * upper
                outs.append(p)
                sum_row = sum_row + p
                new_cols[n] = new_cols[n] + p
            obk = _butterfly_transpose(outs)
            for j in range(_L):
                out_v[j, pl.ds(m * _N, _N)] = obk[j]
            return tuple(new_cols)

        lax.fori_loop(0, _N, row_body, tuple([zero] * _N))
        pltpu.sync_copy(out_v, out_hbm.at[pl.ds(base, _L)])

    return sc_stick_breaking


_SC_CALL = _build_sc_call()


def kernel(x):
    out = _SC_CALL(x.reshape(_B, _N * _N))
    return out.reshape(_B, _N, _N)

# --- scband reference (transcript-rebuilt; emitter-appended) ---
"""Pipeline reference for scband-stick-breaking-50345606643969 (READ-ONLY COPY).

The authoritative reference and input builder live on the scoring server;
editing this copy changes nothing except your own understanding.
"""

import jax, jax.numpy as jnp
import numpy as np


def _stick_breaking(b):
    # b: [B, N, N] permutation matrix in logistic space (already sigmoid-ed)
    N = b.shape[2]
    idx = jnp.arange(N)
    Nf = jnp.asarray(N, dtype=b.dtype)

    def step_fn(x, step):
        m = step // N
        n = step % N
        row_m = jnp.take(x, m, axis=1)   # x[:, m, :]  -> [B, N]
        col_n = jnp.take(x, n, axis=2)   # x[:, :, n]  -> [B, N]
        mask_lt_n = (idx < n).astype(b.dtype)   # [N]
        mask_lt_m = (idx < m).astype(b.dtype)   # [N]
        mask_gt_n = (idx > n).astype(b.dtype)   # [N]
        # sum over x[:, m, :n]
        sum_row = jnp.sum(row_m * mask_lt_n[None, :], axis=1)
        # sum over x[:, :m, n+1:]
        sum_block = jnp.sum(x * mask_lt_m[None, :, None] * mask_gt_n[None, None, :], axis=(1, 2))
        # sum over x[:, :m, n]
        sum_col = jnp.sum(col_n * mask_lt_m[None, :], axis=1)
        lower = jnp.maximum(0.0, 2.0 - Nf + n.astype(b.dtype) - sum_row + sum_block)
        upper = jnp.minimum(1.0 - sum_row, 1.0 - sum_col)
        p = lower + b[:, m, n] * (upper - lower)   # [B]
        x = x.at[:, m, n].set(p)
        return x, None

    x0 = jnp.zeros_like(b)
    x_final, _ = jax.lax.scan(step_fn, x0, jnp.arange(N * N))
    return x_final


def setup_inputs(seed: int = 0) -> dict:
    key = jax.random.key(seed)
    x = jax.random.normal(key, (512, 16, 16), dtype=jnp.float32)
    return {"x": x}


def reference(x):
    b = jax.nn.sigmoid(x)
    return _stick_breaking(b)

if __name__ == "__main__":
    import jax
    _d = setup_inputs()
    print(jax.jit(kernel)(*tuple(_d.values())))

</pallas_src>

<mosaic_0001>
#map = affine_map<(d0, d1) -> (0, 0)>
module attributes {stable_mosaic.version = 14 : i64} {
  func.func @sc_stick_breaking(%arg0: i32, %arg1: i32, %arg2: memref<512x256xf32, #tpu.memory_space<hbm>>, %arg3: memref<512x256xf32, #tpu.memory_space<hbm>>, %arg4: memref<16x256xf32, #tpu.memory_space<vmem>>, %arg5: memref<16x256xf32, #tpu.memory_space<vmem>>) attributes {dimension_semantics = [#tpu.dimension_semantics<core_parallel>, #tpu.dimension_semantics<subcore_parallel>], iteration_bounds = array<i64: 2, 16>, scalar_prefetch = 0 : i64, scratch_operands = 2 : i64, tpu.core_type = #tpu.core_type<sc_vector_subcore>, window_params = [{transform_indices = #map}, {transform_indices = #map}]} {
    %mul3A = arith.constant 2 : i32
    %mul3A_0 = arith.muli %arg1, %mul3A : i32
    %add3A = arith.addi %mul3A_0, %arg0 : i32
    %mul3A_1 = arith.constant 16 : i32
    %mul3A_2 = arith.muli %add3A, %mul3A_1 : i32
    "tpu.region"() ({
      %run_scoped3A = tpu.sem_alloc : memref<!tpu.dma_semaphore, #tpu.memory_space<semaphore_mem>>
      %dma_start3A = arith.constant 0 : i32
      %dma_start3A_11 = tpu.memref_slice %arg2[%mul3A_2, %dma_start3A] : memref<512x256xf32, #tpu.memory_space<hbm>> -> memref<16x256xf32, #tpu.memory_space<hbm>>
      %dma_start3A_12 = arith.constant 0 : i32
      %dma_start3A_13 = tpu.memref_slice %arg2[%mul3A_2, %dma_start3A_12] : memref<512x256xf32, #tpu.memory_space<hbm>> -> memref<16x256xf32, #tpu.memory_space<hbm>>
      tpu.enqueue_dma source(%dma_start3A_13 : memref<16x256xf32, #tpu.memory_space<hbm>>) target(%arg4 : memref<16x256xf32, #tpu.memory_space<vmem>>) target_semaphore(%run_scoped3A : memref<!tpu.dma_semaphore, #tpu.memory_space<semaphore_mem>>)
      %dma_wait3A = arith.constant 0 : i32
      %dma_wait3A_14 = tpu.memref_slice %arg2[%mul3A_2, %dma_wait3A] : memref<512x256xf32, #tpu.memory_space<hbm>> -> memref<16x256xf32, #tpu.memory_space<hbm>>
      %dma_wait3A_15 = arith.constant 0 : i32
      %dma_wait3A_16 = tpu.memref_slice %arg2[%mul3A_2, %dma_wait3A_15] : memref<512x256xf32, #tpu.memory_space<hbm>> -> memref<16x256xf32, #tpu.memory_space<hbm>>
      tpu.wait_dma2 semaphore(%run_scoped3A : memref<!tpu.dma_semaphore, #tpu.memory_space<semaphore_mem>>) src(%dma_wait3A_16 : memref<16x256xf32, #tpu.memory_space<hbm>>) dst(%arg4 : memref<16x256xf32, #tpu.memory_space<vmem>>)
      tpu.yield
    }) : () -> ()
    %broadcast_in_dim3A = arith.constant 0.000000e+00 : f32
    %broadcast_in_dim3A_3 = vector.broadcast %broadcast_in_dim3A : f32 to vector<16xf32>
    %broadcast_in_dim3A_4 = arith.constant 1.000000e+00 : f32
    %broadcast_in_dim3A_5 = vector.broadcast %broadcast_in_dim3A_4 : f32 to vector<16xf32>
    %scan3A = arith.constant 0 : i32
    %scan3A_6 = arith.constant 16 : i32
    %scan3A_7 = arith.addi %scan3A, %scan3A_6 : i32
    %scan3A_8 = arith.constant 1 : i32
    %scan3A_9:16 = scf.for %scan3A_11 = %scan3A to %scan3A_7 step %scan3A_8 iter_args(%scan3A_12 = %broadcast_in_dim3A_3, %scan3A_13 = %broadcast_in_dim3A_3, %scan3A_14 = %broadcast_in_dim3A_3, %scan3A_15 = %broadcast_in_dim3A_3, %scan3A_16 = %broadcast_in_dim3A_3, %scan3A_17 = %broadcast_in_dim3A_3, %scan3A_18 = %broadcast_in_dim3A_3, %scan3A_19 = %broadcast_in_dim3A_3, %scan3A_20 = %broadcast_in_dim3A_3, %scan3A_21 = %broadcast_in_dim3A_3, %scan3A_22 = %broadcast_in_dim3A_3, %scan3A_23 = %broadcast_in_dim3A_3, %scan3A_24 = %broadcast_in_dim3A_3, %scan3A_25 = %broadcast_in_dim3A_3, %scan3A_26 = %broadcast_in_dim3A_3, %scan3A_27 = %broadcast_in_dim3A_3) -> (vector<16xf32>, vector<16xf32>, vector<16xf32>, vector<16xf32>, vector<16xf32>, vector<16xf32>, vector<16xf32>, vector<16xf32>, vector<16xf32>, vector<16xf32>, vector<16xf32>, vector<16xf32>, vector<16xf32>, vector<16xf32>, vector<16xf32>, vector<16xf32>)  : i32 {
      %mul3A_28 = arith.constant 16 : i32
      %mul3A_29 = arith.muli %scan3A_11, %mul3A_28 : i32
      %get3A = arith.constant 0 : i32
      %get3A_30 = arith.index_cast %get3A : i32 to index
      %get3A_31 = arith.index_cast %mul3A_29 : i32 to index
      %get3A_32 = tpu.vector_load %arg4[%get3A_30, %get3A_31] {strides = array<i32>} : memref<16x256xf32, #tpu.memory_space<vmem>>, vector<1x16xf32>,
      %get3A_33 = vector.shape_cast %get3A_32 : vector<1x16xf32> to vector<16xf32>
      %mul3A_34 = arith.constant 16 : i32
      %mul3A_35 = arith.muli %scan3A_11, %mul3A_34 : i32
      %get3A_36 = arith.constant 1 : i32
      %get3A_37 = arith.index_cast %get3A_36 : i32 to index
      %get3A_38 = arith.index_cast %mul3A_35 : i32 to index
      %get3A_39 = tpu.vector_load %arg4[%get3A_37, %get3A_38] {strides = array<i32>} : memref<16x256xf32, #tpu.memory_space<vmem>>, vector<1x16xf32>,
      %get3A_40 = vector.shape_cast %get3A_39 : vector<1x16xf32> to vector<16xf32>
      %mul3A_41 = arith.constant 16 : i32
      %mul3A_42 = arith.muli %scan3A_11, %mul3A_41 : i32
      %get3A_43 = arith.constant 2 : i32
      %get3A_44 = arith.index_cast %get3A_43 : i32 to index
      %get3A_45 = arith.index_cast %mul3A_42 : i32 to index
      %get3A_46 = tpu.vector_load %arg4[%get3A_44, %get3A_45] {strides = array<i32>} : memref<16x256xf32, #tpu.memory_space<vmem>>, vector<1x16xf32>,
      %get3A_47 = vector.shape_cast %get3A_46 : vector<1x16xf32> to vector<16xf32>
      %mul3A_48 = arith.constant 16 : i32
      %mul3A_49 = arith.muli %scan3A_11, %mul3A_48 : i32
      %get3A_50 = arith.constant 3 : i32
      %get3A_51 = arith.index_cast %get3A_50 : i32 to index
      %get3A_52 = arith.index_cast %mul3A_49 : i32 to index
      %get3A_53 = tpu.vector_load %arg4[%get3A_51, %get3A_52] {strides = array<i32>} : memref<16x256xf32, #tpu.memory_space<vmem>>, vector<1x16xf32>,
      %get3A_54 = vector.shape_cast %get3A_53 : vector<1x16xf32> to vector<16xf32>
      %mul3A_55 = arith.constant 16 : i32
      %mul3A_56 = arith.muli %scan3A_11, %mul3A_55 : i32
      %get3A_57 = arith.constant 4 : i32
      %get3A_58 = arith.index_cast %get3A_57 : i32 to index
      %get3A_59 = arith.index_cast %mul3A_56 : i32 to index
      %get3A_60 = tpu.vector_load %arg4[%get3A_58, %get3A_59] {strides = array<i32>} : memref<16x256xf32, #tpu.memory_space<vmem>>, vector<1x16xf32>,
      %get3A_61 = vector.shape_cast %get3A_60 : vector<1x16xf32> to vector<16xf32>
      %mul3A_62 = arith.constant 16 : i32
      %mul3A_63 = arith.muli %scan3A_11, %mul3A_62 : i32
      %get3A_64 = arith.constant 5 : i32
      %get3A_65 = arith.index_cast %get3A_64 : i32 to index
      %get3A_66 = arith.index_cast %mul3A_63 : i32 to index
      %get3A_67 = tpu.vector_load %arg4[%get3A_65, %get3A_66] {strides = array<i32>} : memref<16x256xf32, #tpu.memory_space<vmem>>, vector<1x16xf32>,
      %get3A_68 = vector.shape_cast %get3A_67 : vector<1x16xf32> to vector<16xf32>
      %mul3A_69 = arith.constant 16 : i32
      %mul3A_70 = arith.muli %scan3A_11, %mul3A_69 : i32
      %get3A_71 = arith.constant 6 : i32
      %get3A_72 = arith.index_cast %get3A_71 : i32 to index
      %get3A_73 = arith.index_cast %mul3A_70 : i32 to index
      %get3A_74 = tpu.vector_load %arg4[%get3A_72, %get3A_73] {strides = array<i32>} : memref<16x256xf32, #tpu.memory_space<vmem>>, vector<1x16xf32>,
      %get3A_75 = vector.shape_cast %get3A_74 : vector<1x16xf32> to vector<16xf32>
      %mul3A_76 = arith.constant 16 : i32
      %mul3A_77 = arith.muli %scan3A_11, %mul3A_76 : i32
      %get3A_78 = arith.constant 7 : i32
      %get3A_79 = arith.index_cast %get3A_78 : i32 to index
      %get3A_80 = arith.index_cast %mul3A_77 : i32 to index
      %get3A_81 = tpu.vector_load %arg4[%get3A_79, %get3A_80] {strides = array<i32>} : memref<16x256xf32, #tpu.memory_space<vmem>>, vector<1x16xf32>,
      %get3A_82 = vector.shape_cast %get3A_81 : vector<1x16xf32> to vector<16xf32>
      %mul3A_83 = arith.constant 16 : i32
      %mul3A_84 = arith.muli %scan3A_11, %mul3A_83 : i32
      %get3A_85 = arith.constant 8 : i32
      %get3A_86 = arith.index_cast %get3A_85 : i32 to index
      %get3A_87 = arith.index_cast %mul3A_84 : i32 to index
      %get3A_88 = tpu.vector_load %arg4[%get3A_86, %get3A_87] {strides = array<i32>} : memref<16x256xf32, #tpu.memory_space<vmem>>, vector<1x16xf32>,
      %get3A_89 = vector.shape_cast %get3A_88 : vector<1x16xf32> to vector<16xf32>
      %mul3A_90 = arith.constant 16 : i32
      %mul3A_91 = arith.muli %scan3A_11, %mul3A_90 : i32
      %get3A_92 = arith.constant 9 : i32
      %get3A_93 = arith.index_cast %get3A_92 : i32 to index
      %get3A_94 = arith.index_cast %mul3A_91 : i32 to index
      %get3A_95 = tpu.vector_load %arg4[%get3A_93, %get3A_94] {strides = array<i32>} : memref<16x256xf32, #tpu.memory_space<vmem>>, vector<1x16xf32>,
      %get3A_96 = vector.shape_cast %get3A_95 : vector<1x16xf32> to vector<16xf32>
      %mul3A_97 = arith.constant 16 : i32
      %mul3A_98 = arith.muli %scan3A_11, %mul3A_97 : i32
      %get3A_99 = arith.constant 10 : i32
      %get3A_100 = arith.index_cast %get3A_99 : i32 to index
      %get3A_101 = arith.index_cast %mul3A_98 : i32 to index
      %get3A_102 = tpu.vector_load %arg4[%get3A_100, %get3A_101] {strides = array<i32>} : memref<16x256xf32, #tpu.memory_space<vmem>>, vector<1x16xf32>,
      %get3A_103 = vector.shape_cast %get3A_102 : vector<1x16xf32> to vector<16xf32>
      %mul3A_104 = arith.constant 16 : i32
      %mul3A_105 = arith.muli %scan3A_11, %mul3A_104 : i32
      %get3A_106 = arith.constant 11 : i32
      %get3A_107 = arith.index_cast %get3A_106 : i32 to index
      %get3A_108 = arith.index_cast %mul3A_105 : i32 to index
      %get3A_109 = tpu.vector_load %arg4[%get3A_107, %get3A_108] {strides = array<i32>} : memref<16x256xf32, #tpu.memory_space<vmem>>, vector<1x16xf32>,
      %get3A_110 = vector.shape_cast %get3A_109 : vector<1x16xf32> to vector<16xf32>
      %mul3A_111 = arith.constant 16 : i32
      %mul3A_112 = arith.muli %scan3A_11, %mul3A_111 : i32
      %get3A_113 = arith.constant 12 : i32
      %get3A_114 = arith.index_cast %get3A_113 : i32 to index
      %get3A_115 = arith.index_cast %mul3A_112 : i32 to index
      %get3A_116 = tpu.vector_load %arg4[%get3A_114, %get3A_115] {strides = array<i32>} : memref<16x256xf32, #tpu.memory_space<vmem>>, vector<1x16xf32>,
      %get3A_117 = vector.shape_cast %get3A_116 : vector<1x16xf32> to vector<16xf32>
      %mul3A_118 = arith.constant 16 : i32
      %mul3A_119 = arith.muli %scan3A_11, %mul3A_118 : i32
      %get3A_120 = arith.constant 13 : i32
      %get3A_121 = arith.index_cast %get3A_120 : i32 to index
      %get3A_122 = arith.index_cast %mul3A_119 : i32 to index
      %get3A_123 = tpu.vector_load %arg4[%get3A_121, %get3A_122] {strides = array<i32>} : memref<16x256xf32, #tpu.memory_space<vmem>>, vector<1x16xf32>,
      %get3A_124 = vector.shape_cast %get3A_123 : vector<1x16xf32> to vector<16xf32>
      %mul3A_125 = arith.constant 16 : i32
      %mul3A_126 = arith.muli %scan3A_11, %mul3A_125 : i32
      %get3A_127 = arith.constant 14 : i32
      %get3A_128 = arith.index_cast %get3A_127 : i32 to index
      %get3A_129 = arith.index_cast %mul3A_126 : i32 to index
      %get3A_130 = tpu.vector_load %arg4[%get3A_128, %get3A_129] {strides = array<i32>} : memref<16x256xf32, #tpu.memory_space<vmem>>, vector<1x16xf32>,
      %get3A_131 = vector.shape_cast %get3A_130 : vector<1x16xf32> to vector<16xf32>
      %mul3A_132 = arith.constant 16 : i32
      %mul3A_133 = arith.muli %scan3A_11, %mul3A_132 : i32
      %get3A_134 = arith.constant 15 : i32
      %get3A_135 = arith.index_cast %get3A_134 : i32 to index
      %get3A_136 = arith.index_cast %mul3A_133 : i32 to index
      %get3A_137 = tpu.vector_load %arg4[%get3A_135, %get3A_136] {strides = array<i32>} : memref<16x256xf32, #tpu.memory_space<vmem>>, vector<1x16xf32>,
      %get3A_138 = vector.shape_cast %get3A_137 : vector<1x16xf32> to vector<16xf32>
      %iota3A = tpu.iota {dimensions = array<i32: 0>} : vector<16xi32>
      %xor3A = arith.constant 1 : i32
      %xor3A_139 = vector.broadcast %xor3A : i32 to vector<16xi32>
      %xor3A_140 = arith.xori %iota3A, %xor3A_139 : vector<16xi32>
      %iota3A_141 = tpu.iota {dimensions = array<i32: 0>} : vector<16xi32>
      %and3A = arith.constant 1 : i32
      %and3A_142 = vector.broadcast %and3A : i32 to vector<16xi32>
      %and3A_143 = arith.andi %iota3A_141, %and3A_142 : vector<16xi32>
      %eq3A = arith.constant 0 : i32
      %eq3A_144 = vector.broadcast %eq3A : i32 to vector<16xi32>
      %eq3A_145 = arith.cmpi eq, %and3A_143, %eq3A_144 : vector<16xi32>
      %iota3A_146 = tpu.iota {dimensions = array<i32: 0>} : vector<16xi32>
      %and3A_147 = arith.constant 1 : i32
      %and3A_148 = vector.broadcast %and3A_147 : i32 to vector<16xi32>
      %and3A_149 = arith.andi %iota3A_146, %and3A_148 : vector<16xi32>
      %eq3A_150 = arith.constant 1 : i32
      %eq3A_151 = vector.broadcast %eq3A_150 : i32 to vector<16xi32>
      %eq3A_152 = arith.cmpi eq, %and3A_149, %eq3A_151 : vector<16xi32>
      %iota3A_153 = tpu.iota {dimensions = array<i32: 0>} : vector<16xi32>
      %and3A_154 = arith.constant 1 : i32
      %and3A_155 = vector.broadcast %and3A_154 : i32 to vector<16xi32>
      %and3A_156 = arith.andi %iota3A_153, %and3A_155 : vector<16xi32>
      %eq3A_157 = arith.constant 0 : i32
      %eq3A_158 = vector.broadcast %eq3A_157 : i32 to vector<16xi32>
      %eq3A_159 = arith.cmpi eq, %and3A_156, %eq3A_158 : vector<16xi32>
      %iota3A_160 = tpu.iota {dimensions = array<i32: 0>} : vector<16xi32>
      %and3A_161 = arith.constant 1 : i32
      %and3A_162 = vector.broadcast %and3A_161 : i32 to vector<16xi32>
      %and3A_163 = arith.andi %iota3A_160, %and3A_162 : vector<16xi32>
      %eq3A_164 = arith.constant 1 : i32
      %eq3A_165 = vector.broadcast %eq3A_164 : i32 to vector<16xi32>
      %eq3A_166 = arith.cmpi eq, %and3A_163, %eq3A_165 : vector<16xi32>
      %iota3A_167 = tpu.iota {dimensions = array<i32: 0>} : vector<16xi32>
      %and3A_168 = arith.constant 1 : i32
      %and3A_169 = vector.broadcast %and3A_168 : i32 to vector<16xi32>
      %and3A_170 = arith.andi %iota3A_167, %and3A_169 : vector<16xi32>
      %eq3A_171 = arith.constant 0 : i32
      %eq3A_172 = vector.broadcast %eq3A_171 : i32 to vector<16xi32>
      %eq3A_173 = arith.cmpi eq, %and3A_170, %eq3A_172 : vector<16xi32>
      %iota3A_174 = tpu.iota {dimensions = array<i32: 0>} : vector<16xi32>
      %and3A_175 = arith.constant 1 : i32
      %and3A_176 = vector.broadcast %and3A_175 : i32 to vector<16xi32>
      %and3A_177 = arith.andi %iota3A_174, %and3A_176 : vector<16xi32>
      %eq3A_178 = arith.constant 1 : i32
      %eq3A_179 = vector.broadcast %eq3A_178 : i32 to vector<16xi32>
      %eq3A_180 = arith.cmpi eq, %and3A_177, %eq3A_179 : vector<16xi32>
      %iota3A_181 = tpu.iota {dimensions = array<i32: 0>} : vector<16xi32>
      %and3A_182 = arith.constant 1 : i32
      %and3A_183 = vector.broadcast %and3A_182 : i32 to vector<16xi32>
      %and3A_184 = arith.andi %iota3A_181, %and3A_183 : vector<16xi32>
      %eq3A_185 = arith.constant 0 : i32
      %eq3A_186 = vector.broadcast %eq3A_185 : i32 to vector<16xi32>
      %eq3A_187 = arith.cmpi eq, %and3A_184, %eq3A_186 : vector<16xi32>
      %iota3A_188 = tpu.iota {dimensions = array<i32: 0>} : vector<16xi32>
      %and3A_189 = arith.constant 1 : i32
      %and3A_190 = vector.broadcast %and3A_189 : i32 to vector<16xi32>
      %and3A_191 = arith.andi %iota3A_188, %and3A_190 : vector<16xi32>
      %eq3A_192 = arith.constant 1 : i32
      %eq3A_193 = vector.broadcast %eq3A_192 : i32 to vector<16xi32>
      %eq3A_194 = arith.cmpi eq, %and3A_191, %eq3A_193 : vector<16xi32>
      %iota3A_195 = tpu.iota {dimensions = array<i32: 0>} : vector<16xi32>
      %and3A_196 = arith.constant 1 : i32
      %and3A_197 = vector.broadcast %and3A_196 : i32 to vector<16xi32>
      %and3A_198 = arith.andi %iota3A_195, %and3A_197 : vector<16xi32>
      %eq3A_199 = arith.constant 0 : i32
      %eq3A_200 = vector.broadcast %eq3A_199 : i32 to vector<16xi32>
      %eq3A_201 = arith.cmpi eq, %and3A_198, %eq3A_200 : vector<16xi32>
      %iota3A_202 = tpu.iota {dimensions = array<i32: 0>} : vector<16xi32>
      %and3A_203 = arith.constant 1 : i32
      %and3A_204 = vector.broadcast %and3A_203 : i32 to vector<16xi32>
      %and3A_205 = arith.andi %iota3A_202, %and3A_204 : vector<16xi32>
      %eq3A_206 = arith.constant 1 : i32
      %eq3A_207 = vector.broadcast %eq3A_206 : i32 to vector<16xi32>
      %eq3A_208 = arith.cmpi eq, %and3A_205, %eq3A_207 : vector<16xi32>
      %iota3A_209 = tpu.iota {dimensions = array<i32: 0>} : vector<16xi32>
      %and3A_210 = arith.constant 1 : i32
      %and3A_211 = vector.broadcast %and3A_210 : i32 to vector<16xi32>
      %and3A_212 = arith.andi %iota3A_209, %and3A_211 : vector<16xi32>
      %eq3A_213 = arith.constant 0 : i32
      %eq3A_214 = vector.broadcast %eq3A_213 : i32 to vector<16xi32>
      %eq3A_215 = arith.cmpi eq, %and3A_212, %eq3A_214 : vector<16xi32>
      %iota3A_216 = tpu.iota {dimensions = array<i32: 0>} : vector<16xi32>
      %and3A_217 = arith.constant 1 : i32
      %and3A_218 = vector.broadcast %and3A_217 : i32 to vector<16xi32>
      %and3A_219 = arith.andi %iota3A_216, %and3A_218 : vector<16xi32>
      %eq3A_220 = arith.constant 1 : i32
      %eq3A_221 = vector.broadcast %eq3A_220 : i32 to vector<16xi32>
      %eq3A_222 = arith.cmpi eq, %and3A_219, %eq3A_221 : vector<16xi32>
      %iota3A_223 = tpu.iota {dimensions = array<i32: 0>} : vector<16xi32>
      %and3A_224 = arith.constant 1 : i32
      %and3A_225 = vector.broadcast %and3A_224 : i32 to vector<16xi32>
      %and3A_226 = arith.andi %iota3A_223, %and3A_225 : vector<16xi32>
      %eq3A_227 = arith.constant 0 : i32
      %eq3A_228 = vector.broadcast %eq3A_227 : i32 to vector<16xi32>
      %eq3A_229 = arith.cmpi eq, %and3A_226, %eq3A_228 : vector<16xi32>
      %iota3A_230 = tpu.iota {dimensions = array<i32: 0>} : vector<16xi32>
      %and3A_231 = arith.constant 1 : i32
      %and3A_232 = vector.broadcast %and3A_231 : i32 to vector<16xi32>
      %and3A_233 = arith.andi %iota3A_230, %and3A_232 : vector<16xi32>
      %eq3A_234 = arith.constant 1 : i32
      %eq3A_235 = vector.broadcast %eq3A_234 : i32 to vector<16xi32>
      %eq3A_236 = arith.cmpi eq, %and3A_233, %eq3A_235 : vector<16xi32>
      %iota3A_237 = tpu.iota {dimensions = array<i32: 0>} : vector<16xi32>
      %and3A_238 = arith.constant 1 : i32
      %and3A_239 = vector.broadcast %and3A_238 : i32 to vector<16xi32>
      %and3A_240 = arith.andi %iota3A_237, %and3A_239 : vector<16xi32>
      %eq3A_241 = arith.constant 0 : i32
      %eq3A_242 = vector.broadcast %eq3A_241 : i32 to vector<16xi32>
      %eq3A_243 = arith.cmpi eq, %and3A_240, %eq3A_242 : vector<16xi32>
      %iota3A_244 = tpu.iota {dimensions = array<i32: 0>} : vector<16xi32>
      %and3A_245 = arith.constant 1 : i32
      %and3A_246 = vector.broadcast %and3A_245 : i32 to vector<16xi32>
      %and3A_247 = arith.andi %iota3A_244, %and3A_246 : vector<16xi32>
      %eq3A_248 = arith.constant 1 : i32
      %eq3A_249 = vector.broadcast %eq3A_248 : i32 to vector<16xi32>
      %eq3A_250 = arith.cmpi eq, %and3A_247, %eq3A_249 : vector<16xi32>
      %broadcast_in_dim3A_251 = vector.shape_cast %xor3A_140 : vector<16xi32> to vector<16x1xi32>
      %gather3A = vector.shape_cast %broadcast_in_dim3A_251 : vector<16x1xi32> to vector<16xi32>
      %gather3A_252 = tpu.dynamic_gather %get3A_40[%gather3A] in [0] : vector<16xf32>, vector<16xi32> -> vector<16xf32>
      %select_n3A = arith.select %eq3A_145, %get3A_33, %gather3A_252 : vector<16xi1>, vector<16xf32>
      %broadcast_in_dim3A_253 = vector.shape_cast %xor3A_140 : vector<16xi32> to vector<16x1xi32>
      %gather3A_254 = vector.shape_cast %broadcast_in_dim3A_253 : vector<16x1xi32> to vector<16xi32>
      %gather3A_255 = tpu.dynamic_gather %get3A_33[%gather3A_254] in [0] : vector<16xf32>, vector<16xi32> -> vector<16xf32>
      %select_n3A_256 = arith.select %eq3A_152, %get3A_40, %gather3A_255 : vector<16xi1>, vector<16xf32>
      %broadcast_in_dim3A_257 = vector.shape_cast %xor3A_140 : vector<16xi32> to vector<16x1xi32>
      %gather3A_258 = vector.shape_cast %broadcast_in_dim3A_257 : vector<16x1xi32> to vector<16xi32>
      %gather3A_259 = tpu.dynamic_gather %get3A_54[%gather3A_258] in [0] : vector<16xf32>, vector<16xi32> -> vector<16xf32>
      %select_n3A_260 = arith.select %eq3A_159, %get3A_47, %gather3A_259 : vector<16xi1>, vector<16xf32>
      %broadcast_in_dim3A_261 = vector.shape_cast %xor3A_140 : vector<16xi32> to vector<16x1xi32>
      %gather3A_262 = vector.shape_cast %broadcast_in_dim3A_261 : vector<16x1xi32> to vector<16xi32>
      %gather3A_263 = tpu.dynamic_gather %get3A_47[%gather3A_262] in [0] : vector<16xf32>, vector<16xi32> -> vector<16xf32>
      %select_n3A_264 = arith.select %eq3A_166, %get3A_54, %gather3A_263 : vector<16xi1>, vector<16xf32>
      %broadcast_in_dim3A_265 = vector.shape_cast %xor3A_140 : vector<16xi32> to vector<16x1xi32>
      %gather3A_266 = vector.shape_cast %broadcast_in_dim3A_265 : vector<16x1xi32> to vector<16xi32>
      %gather3A_267 = tpu.dynamic_gather %get3A_68[%gather3A_266] in [0] : vector<16xf32>, vector<16xi32> -> vector<16xf32>
      %select_n3A_268 = arith.select %eq3A_173, %get3A_61, %gather3A_267 : vector<16xi1>, vector<16xf32>
      %broadcast_in_dim3A_269 = vector.shape_cast %xor3A_140 : vector<16xi32> to vector<16x1xi32>
      %gather3A_270 = vector.shape_cast %broadcast_in_dim3A_269 : vector<16x1xi32> to vector<16xi32>
      %gather3A_271 = tpu.dynamic_gather %get3A_61[%gather3A_270] in [0] : vector<16xf32>, vector<16xi32> -> vector<16xf32>
      %select_n3A_272 = arith.select %eq3A_180, %get3A_68, %gather3A_271 : vector<16xi1>, vector<16xf32>
      %broadcast_in_dim3A_273 = vector.shape_cast %xor3A_140 : vector<16xi32> to vector<16x1xi32>
      %gather3A_274 = vector.shape_cast %broadcast_in_dim3A_273 : vector<16x1xi32> to vector<16xi32>
      %gather3A_275 = tpu.dynamic_gather %get3A_82[%gather3A_274] in [0] : vector<16xf32>, vector<16xi32> -> vector<16xf32>
      %select_n3A_276 = arith.select %eq3A_187, %get3A_75, %gather3A_275 : vector<16xi1>, vector<16xf32>
      %broadcast_in_dim3A_277 = vector.shape_cast %xor3A_140 : vector<16xi32> to vector<16x1xi32>
      %gather3A_278 = vector.shape_cast %broadcast_in_dim3A_277 : vector<16x1xi32> to vector<16xi32>
      %gather3A_279 = tpu.dynamic_gather %get3A_75[%gather3A_278] in [0] : vector<16xf32>, vector<16xi32> -> vector<16xf32>
      %select_n3A_280 = arith.select %eq3A_194, %get3A_82, %gather3A_279 : vector<16xi1>, vector<16xf32>
      %broadcast_in_dim3A_281 = vector.shape_cast %xor3A_140 : vector<16xi32> to vector<16x1xi32>
      %gather3A_282 = vector.shape_cast %broadcast_in_dim3A_281 : vector<16x1xi32> to vector<16xi32>
      %gather3A_283 = tpu.dynamic_gather %get3A_96[%gather3A_282] in [0] : vector<16xf32>, vector<16xi32> -> vector<16xf32>
      %select_n3A_284 = arith.select %eq3A_201, %get3A_89, %gather3A_283 : vector<16xi1>, vector<16xf32>
      %broadcast_in_dim3A_285 = vector.shape_cast %xor3A_140 : vector<16xi32> to vector<16x1xi32>
      %gather3A_286 = vector.shape_cast %broadcast_in_dim3A_285 : vector<16x1xi32> to vector<16xi32>
      %gather3A_287 = tpu.dynamic_gather %get3A_89[%gather3A_286] in [0] : vector<16xf32>, vector<16xi32> -> vector<16xf32>
      %select_n3A_288 = arith.select %eq3A_208, %get3A_96, %gather3A_287 : vector<16xi1>, vector<16xf32>
      %broadcast_in_dim3A_289 = vector.shape_cast %xor3A_140 : vector<16xi32> to vector<16x1xi32>
      %gather3A_290 = vector.shape_cast %broadcast_in_dim3A_289 : vector<16x1xi32> to vector<16xi32>
      %gather3A_291 = tpu.dynamic_gather %get3A_110[%gather3A_290] in [0] : vector<16xf32>, vector<16xi32> -> vector<16xf32>
      %select_n3A_292 = arith.select %eq3A_215, %get3A_103, %gather3A_291 : vector<16xi1>, vector<16xf32>
      %broadcast_in_dim3A_293 = vector.shape_cast %xor3A_140 : vector<16xi32> to vector<16x1xi32>
      %gather3A_294 = vector.shape_cast %broadcast_in_dim3A_293 : vector<16x1xi32> to vector<16xi32>
      %gather3A_295 = tpu.dynamic_gather %get3A_103[%gather3A_294] in [0] : vector<16xf32>, vector<16xi32> -> vector<16xf32>
      %select_n3A_296 = arith.select %eq3A_222, %get3A_110, %gather3A_295 : vector<16xi1>, vector<16xf32>
      %broadcast_in_dim3A_297 = vector.shape_cast %xor3A_140 : vector<16xi32> to vector<16x1xi32>
      %gather3A_298 = vector.shape_cast %broadcast_in_dim3A_297 : vector<16x1xi32> to vector<16xi32>
      %gather3A_299 = tpu.dynamic_gather %get3A_124[%gather3A_298] in [0] : vector<16xf32>, vector<16xi32> -> vector<16xf32>
      %select_n3A_300 = arith.select %eq3A_229, %get3A_117, %gather3A_299 : vector<16xi1>, vector<16xf32>
      %broadcast_in_dim3A_301 = vector.shape_cast %xor3A_140 : vector<16xi32> to vector<16x1xi32>
      %gather3A_302 = vector.shape_cast %broadcast_in_dim3A_301 : vector<16x1xi32> to vector<16xi32>
      %gather3A_303 = tpu.dynamic_gather %get3A_117[%gather3A_302] in [0] : vector<16xf32>, vector<16xi32> -> vector<16xf32>
      %select_n3A_304 = arith.select %eq3A_236, %get3A_124, %gather3A_303 : vector<16xi1>, vector<16xf32>
      %broadcast_in_dim3A_305 = vector.shape_cast %xor3A_140 : vector<16xi32> to vector<16x1xi32>
      %gather3A_306 = vector.shape_cast %broadcast_in_dim3A_305 : vector<16x1xi32> to vector<16xi32>
      %gather3A_307 = tpu.dynamic_gather %get3A_138[%gather3A_306] in [0] : vector<16xf32>, vector<16xi32> -> vector<16xf32>
      %select_n3A_308 = arith.select %eq3A_243, %get3A_131, %gather3A_307 : vector<16xi1>, vector<16xf32>
      %broadcast_in_dim3A_309 = vector.shape_cast %xor3A_140 : vector<16xi32> to vector<16x1xi32>
      %gather3A_310 = vector.shape_cast %broadcast_in_dim3A_309 : vector<16x1xi32> to vector<16xi32>
      %gather3A_311 = tpu.dynamic_gather %get3A_131[%gather3A_310] in [0] : vector<16xf32>, vector<16xi32> -> vector<16xf32>
      %select_n3A_312 = arith.select %eq3A_250, %get3A_138, %gather3A_311 : vector<16xi1>, vector<16xf32>
      %xor3A_313 = arith.constant 2 : i32
      %xor3A_314 = vector.broadcast %xor3A_313 : i32 to vector<16xi32>
      %xor3A_315 = arith.xori %iota3A, %xor3A_314 : vector<16xi32>
      %iota3A_316 = tpu.iota {dimensions = array<i32: 0>} : vector<16xi32>
      %and3A_317 = arith.constant 2 : i32
      %and3A_318 = vector.broadcast %and3A_317 : i32 to vector<16xi32>
      %and3A_319 = arith.andi %iota3A_316, %and3A_318 : vector<16xi32>
      %eq3A_320 = arith.constant 0 : i32
      %eq3A_321 = vector.broadcast %eq3A_320 : i32 to vector<16xi32>
      %eq3A_322 = arith.cmpi eq, %and3A_319, %eq3A_321 : vector<16xi32>
      %iota3A_323 = tpu.iota {dimensions = array<i32: 0>} : vector<16xi32>
      %and3A_324 = arith.constant 2 : i32
      %and3A_325 = vector.broadcast %and3A_324 : i32 to vector<16xi32>
      %and3A_326 = arith.andi %iota3A_323, %and3A_325 : vector<16xi32>
      %eq3A_327 = arith.constant 0 : i32
      %eq3A_328 = vector.broadcast %eq3A_327 : i32 to vector<16xi32>
      %eq3A_329 = arith.cmpi eq, %and3A_326, %eq3A_328 : vector<16xi32>
      %iota3A_330 = tpu.iota {dimensions = array<i32: 0>} : vector<16xi32>
      %and3A_331 = arith.constant 2 : i32
      %and3A_332 = vector.broadcast %and3A_331 : i32 to vector<16xi32>
      %and3A_333 = arith.andi %iota3A_330, %and3A_332 : vector<16xi32>
      %eq3A_334 = arith.constant 2 : i32
      %eq3A_335 = vector.broadcast %eq3A_334 : i32 to vector<16xi32>
      %eq3A_336 = arith.cmpi eq, %and3A_333, %eq3A_335 : vector<16xi32>
      %iota3A_337 = tpu.iota {dimensions = array<i32: 0>} : vector<16xi32>
      %and3A_338 = arith.constant 2 : i32
      %and3A_339 = vector.broadcast %and3A_338 : i32 to vector<16xi32>
      %and3A_340 = arith.andi %iota3A_337, %and3A_339 : vector<16xi32>
      %eq3A_341 = arith.constant 2 : i32
      %eq3A_342 = vector.broadcast %eq3A_341 : i32 to vector<16xi32>
      %eq3A_343 = arith.cmpi eq, %and3A_340, %eq3A_342 : vector<16xi32>
      %iota3A_344 = tpu.iota {dimensions = array<i32: 0>} : vector<16xi32>
      %and3A_345 = arith.constant 2 : i32
      %and3A_346 = vector.broadcast %and3A_345 : i32 to vector<16xi32>
      %and3A_347 = arith.andi %iota3A_344, %and3A_346 : vector<16xi32>
      %eq3A_348 = arith.constant 0 : i32
      %eq3A_349 = vector.broadcast %eq3A_348 : i32 to vector<16xi32>
      %eq3A_350 = arith.cmpi eq, %and3A_347, %eq3A_349 : vector<16xi32>
      %iota3A_351 = tpu.iota {dimensions = array<i32: 0>} : vector<16xi32>
      %and3A_352 = arith.constant 2 : i32
      %and3A_353 = vector.broadcast %and3A_352 : i32 to vector<16xi32>
      %and3A_354 = arith.andi %iota3A_351, %and3A_353 : vector<16xi32>
      %eq3A_355 = arith.constant 0 : i32
      %eq3A_356 = vector.broadcast %eq3A_355 : i32 to vector<16xi32>
      %eq3A_357 = arith.cmpi eq, %and3A_354, %eq3A_356 : vector<16xi32>
      %iota3A_358 = tpu.iota {dimensions = array<i32: 0>} : vector<16xi32>
      %and3A_359 = arith.constant 2 : i32
      %and3A_360 = vector.broadcast %and3A_359 : i32 to vector<16xi32>
      %and3A_361 = arith.andi %iota3A_358, %and3A_360 : vector<16xi32>
      %eq3A_362 = arith.constant 2 : i32
      %eq3A_363 = vector.broadcast %eq3A_362 : i32 to vector<16xi32>
      %eq3A_364 = arith.cmpi eq, %and3A_361, %eq3A_363 : vector<16xi32>
      %iota3A_365 = tpu.iota {dimensions = array<i32: 0>} : vector<16xi32>
      %and3A_366 = arith.constant 2 : i32
      %and3A_367 = vector.broadcast %and3A_366 : i32 to vector<16xi32>
      %and3A_368 = arith.andi %iota3A_365, %and3A_367 : vector<16xi32>
      %eq3A_369 = arith.constant 2 : i32
      %eq3A_370 = vector.broadcast %eq3A_369 : i32 to vector<16xi32>
      %eq3A_371 = arith.cmpi eq, %and3A_368, %eq3A_370 : vector<16xi32>
      %iota3A_372 = tpu.iota {dimensions = array<i32: 0>} : vector<16xi32>
      %and3A_373 = arith.constant 2 : i32
      %and3A_374 = vector.broadcast %and3A_373 : i32 to vector<16xi32>
      %and3A_375 = arith.andi %iota3A_372, %and3A_374 : vector<16xi32>
      %eq3A_376 = arith.constant 0 : i32
      %eq3A_377 = vector.broadcast %eq3A_376 : i32 to vector<16xi32>
      %eq3A_378 = arith.cmpi eq, %and3A_375, %eq3A_377 : vector<16xi32>
      %iota3A_379 = tpu.iota {dimensions = array<i32: 0>} : vector<16xi32>
      %and3A_380 = arith.constant 2 : i32
      %and3A_381 = vector.broadcast %and3A_380 : i32 to vector<16xi32>
      %and3A_382 = arith.andi %iota3A_379, %and3A_381 : vector<16xi32>
      %eq3A_383 = arith.constant 0 : i32
      %eq3A_384 = vector.broadcast %eq3A_383 : i32 to vector<16xi32>
      %eq3A_385 = arith.cmpi eq, %and3A_382, %eq3A_384 : vector<16xi32>
      %iota3A_386 = tpu.iota {dimensions = array<i32: 0>} : vector<16xi32>
      %and3A_387 = arith.constant 2 : i32
      %and3A_388 = vector.broadcast %and3A_387 : i32 to vector<16xi32>
      %and3A_389 = arith.andi %iota3A_386, %and3A_388 : vector<16xi32>
      %eq3A_390 = arith.constant 2 : i32
      %eq3A_391 = vector.broadcast %eq3A_390 : i32 to vector<16xi32>
      %eq3A_392 = arith.cmpi eq, %and3A_389, %eq3A_391 : vector<16xi32>
      %iota3A_393 = tpu.iota {dimensions = array<i32: 0>} : vector<16xi32>
      %and3A_394 = arith.constant 2 : i32
      %and3A_395 = vector.broadcast %and3A_394 : i32 to vector<16xi32>
      %and3A_396 = arith.andi %iota3A_393, %and3A_395 : vector<16xi32>
      %eq3A_397 = arith.constant 2 : i32
      %eq3A_398 = vector.broadcast %eq3A_397 : i32 to vector<16xi32>
      %eq3A_399 = arith.cmpi eq, %and3A_396, %eq3A_398 : vector<16xi32>
      %iota3A_400 = tpu.iota {dimensions = array<i32: 0>} : vector<16xi32>
      %and3A_401 = arith.constant 2 : i32
      %and3A_402 = vector.broadcast %and3A_401 : i32 to vector<16xi32>
      %and3A_403 = arith.andi %iota3A_400, %and3A_402 : vector<16xi32>
      %eq3A_404 = arith.constant 0 : i32
      %eq3A_405 = vector.broadcast %eq3A_404 : i32 to vector<16xi32>
      %eq3A_406 = arith.cmpi eq, %and3A_403, %eq3A_405 : vector<16xi32>
      %iota3A_407 = tpu.iota {dimensions = array<i32: 0>} : vector<16xi32>
      %and3A_408 = arith.constant 2 : i32
      %and3A_409 = vector.broadcast %and3A_408 : i32 to vector<16xi32>
      %and3A_410 = arith.andi %iota3A_407, %and3A_409 : vector<16xi32>
      %eq3A_411 = arith.constant 0 : i32
      %eq3A_412 = vector.broadcast %eq3A_411 : i32 to vector<16xi32>
      %eq3A_413 = arith.cmpi eq, %and3A_410, %eq3A_412 : vector<16xi32>
      %iota3A_414 = tpu.iota {dimensions = array<i32: 0>} : vector<16xi32>
      %and3A_415 = arith.constant 2 : i32
      %and3A_416 = vector.broadcast %and3A_415 : i32 to vector<16xi32>
      %and3A_417 = arith.andi %iota3A_414, %and3A_416 : vector<16xi32>
      %eq3A_418 = arith.constant 2 : i32
      %eq3A_419 = vector.broadcast %eq3A_418 : i32 to vector<16xi32>
      %eq3A_420 = arith.cmpi eq, %and3A_417, %eq3A_419 : vector<16xi32>
      %iota3A_421 = tpu.iota {dimensions = array<i32: 0>} : vector<16xi32>
      %and3A_422 = arith.constant 2 : i32
      %and3A_423 = vector.broadcast %and3A_422 : i32 to vector<16xi32>
      %and3A_424 = arith.andi %iota3A_421, %and3A_423 : vector<16xi32>
      %eq3A_425 = arith.constant 2 : i32
      %eq3A_426 = vector.broadcast %eq3A_425 : i32 to vector<16xi32>
      %eq3A_427 = arith.cmpi eq, %and3A_424, %eq3A_426 : vector<16xi32>
      %broadcast_in_dim3A_428 = vector.shape_cast %xor3A_315 : vector<16xi32> to vector<16x1xi32>
      %gather3A_429 = vector.shape_cast %broadcast_in_dim3A_428 : vector<16x1xi32> to vector<16xi32>
      %gather3A_430 = tpu.dynamic_gather %select_n3A_260[%gather3A_429] in [0] : vector<16xf32>, vector<16xi32> -> vector<16xf32>
      %select_n3A_431 = arith.select %eq3A_322, %select_n3A, %gather3A_430 : vector<16xi1>, vector<16xf32>
      %broadcast_in_dim3A_432 = vector.shape_cast %xor3A_315 : vector<16xi32> to vector<16x1xi32>
      %gather3A_433 = vector.shape_cast %broadcast_in_dim3A_432 : vector<16x1xi32> to vector<16xi32>
      %gather3A_434 = tpu.dynamic_gather %select_n3A_264[%gather3A_433] in [0] : vector<16xf32>, vector<16xi32> -> vector<16xf32>
      %select_n3A_435 = arith.select %eq3A_329, %select_n3A_256, %gather3A_434 : vector<16xi1>, vector<16xf32>
      %broadcast_in_dim3A_436 = vector.shape_cast %xor3A_315 : vector<16xi32> to vector<16x1xi32>
      %gather3A_437 = vector.shape_cast %broadcast_in_dim3A_436 : vector<16x1xi32> to vector<16xi32>
      %gather3A_438 = tpu.dynamic_gather %select_n3A[%gather3A_437] in [0] : vector<16xf32>, vector<16xi32> -> vector<16xf32>
      %select_n3A_439 = arith.select %eq3A_336, %select_n3A_260, %gather3A_438 : vector<16xi1>, vector<16xf32>
      %broadcast_in_dim3A_440 = vector.shape_cast %xor3A_315 : vector<16xi32> to vector<16x1xi32>
      %gather3A_441 = vector.shape_cast %broadcast_in_dim3A_440 : vector<16x1xi32> to vector<16xi32>
      %gather3A_442 = tpu.dynamic_gather %select_n3A_256[%gather3A_441] in [0] : vector<16xf32>, vector<16xi32> -> vector<16xf32>
      %select_n3A_443 = arith.select %eq3A_343, %select_n3A_264, %gather3A_442 : vector<16xi1>, vector<16xf32>
      %broadcast_in_dim3A_444 = vector.shape_cast %xor3A_315 : vector<16xi32> to vector<16x1xi32>
      %gather3A_445 = vector.shape_cast %broadcast_in_dim3A_444 : vector<16x1xi32> to vector<16xi32>
      %gather3A_446 = tpu.dynamic_gather %select_n3A_276[%gather3A_445] in [0] : vector<16xf32>, vector<16xi32> -> vector<16xf32>
      %select_n3A_447 = arith.select %eq3A_350, %select_n3A_268, %gather3A_446 : vector<16xi1>, vector<16xf32>
      %broadcast_in_dim3A_448 = vector.shape_cast %xor3A_315 : vector<16xi32> to vector<16x1xi32>
      %gather3A_449 = vector.shape_cast %broadcast_in_dim3A_448 : vector<16x1xi32> to vector<16xi32>
      %gather3A_450 = tpu.dynamic_gather %select_n3A_280[%gather3A_449] in [0] : vector<16xf32>, vector<16xi32> -> vector<16xf32>
      %select_n3A_451 = arith.select %eq3A_357, %select_n3A_272, %gather3A_450 : vector<16xi1>, vector<16xf32>
      %broadcast_in_dim3A_452 = vector.shape_cast %xor3A_315 : vector<16xi32> to vector<16x1xi32>
      %gather3A_453 = vector.shape_cast %broadcast_in_dim3A_452 : vector<16x1xi32> to vector<16xi32>
      %gather3A_454 = tpu.dynamic_gather %select_n3A_268[%gather3A_453] in [0] : vector<16xf32>, vector<16xi32> -> vector<16xf32>
      %select_n3A_455 = arith.select %eq3A_364, %select_n3A_276, %gather3A_454 : vector<16xi1>, vector<16xf32>
      %broadcast_in_dim3A_456 = vector.shape_cast %xor3A_315 : vector<16xi32> to vector<16x1xi32>
      %gather3A_457 = vector.shape_cast %broadcast_in_dim3A_456 : vector<16x1xi32> to vector<16xi32>
      %gather3A_458 = tpu.dynamic_gather %select_n3A_272[%gather3A_457] in [0] : vector<16xf32>, vector<16xi32> -> vector<16xf32>
      %select_n3A_459 = arith.select %eq3A_371, %select_n3A_280, %gather3A_458 : vector<16xi1>, vector<16xf32>
      %broadcast_in_dim3A_460 = vector.shape_cast %xor3A_315 : vector<16xi32> to vector<16x1xi32>
      %gather3A_461 = vector.shape_cast %broadcast_in_dim3A_460 : vector<16x1xi32> to vector<16xi32>
      %gather3A_462 = tpu.dynamic_gather %select_n3A_292[%gather3A_461] in [0] : vector<16xf32>, vector<16xi32> -> vector<16xf32>
      %select_n3A_463 = arith.select %eq3A_378, %select_n3A_284, %gather3A_462 : vector<16xi1>, vector<16xf32>
      %broadcast_in_dim3A_464 = vector.shape_cast %xor3A_315 : vector<16xi32> to vector<16x1xi32>
      %gather3A_465 = vector.shape_cast %broadcast_in_dim3A_464 : vector<16x1xi32> to vector<16xi32>
      %gather3A_466 = tpu.dynamic_gather %select_n3A_296[%gather3A_465] in [0] : vector<16xf32>, vector<16xi32> -> vector<16xf32>
      %select_n3A_467 = arith.select %eq3A_385, %select_n3A_288, %gather3A_466 : vector<16xi1>, vector<16xf32>
      %broadcast_in_dim3A_468 = vector.shape_cast %xor3A_315 : vector<16xi32> to vector<16x1xi32>
      %gather3A_469 = vector.shape_cast %broadcast_in_dim3A_468 : vector<16x1xi32> to vector<16xi32>
      %gather3A_470 = tpu.dynamic_gather %select_n3A_284[%gather3A_469] in [0] : vector<16xf32>, vector<16xi32> -> vector<16xf32>
      %select_n3A_471 = arith.select %eq3A_392, %select_n3A_292, %gather3A_470 : vector<16xi1>, vector<16xf32>
      %broadcast_in_dim3A_472 = vector.shape_cast %xor3A_315 : vector<16xi32> to vector<16x1xi32>
      %gather3A_473 = vector.shape_cast %broadcast_in_dim3A_472 : vector<16x1xi32> to vector<16xi32>
      %gather3A_474 = tpu.dynamic_gather %select_n3A_288[%gather3A_473] in [0] : vector<16xf32>, vector<16xi32> -> vector<16xf32>
      %select_n3A_475 = arith.select %eq3A_399, %select_n3A_296, %gather3A_474 : vector<16xi1>, vector<16xf32>
      %broadcast_in_dim3A_476 = vector.shape_cast %xor3A_315 : vector<16xi32> to vector<16x1xi32>
      %gather3A_477 = vector.shape_cast %broadcast_in_dim3A_476 : vector<16x1xi32> to vector<16xi32>
      %gather3A_478 = tpu.dynamic_gather %select_n3A_308[%gather3A_477] in [0] : vector<16xf32>, vector<16xi32> -> vector<16xf32>
      %select_n3A_479 = arith.select %eq3A_406, %select_n3A_300, %gather3A_478 : vector<16xi1>, vector<16xf32>
      %broadcast_in_dim3A_480 = vector.shape_cast %xor3A_315 : vector<16xi32> to vector<16x1xi32>
      %gather3A_481 = vector.shape_cast %broadcast_in_dim3A_480 : vector<16x1xi32> to vector<16xi32>
      %gather3A_482 = tpu.dynamic_gather %select_n3A_312[%gather3A_481] in [0] : vector<16xf32>, vector<16xi32> -> vector<16xf32>
      %select_n3A_483 = arith.select %eq3A_413, %select_n3A_304, %gather3A_482 : vector<16xi1>, vector<16xf32>
      %broadcast_in_dim3A_484 = vector.shape_cast %xor3A_315 : vector<16xi32> to vector<16x1xi32>
      %gather3A_485 = vector.shape_cast %broadcast_in_dim3A_484 : vector<16x1xi32> to vector<16xi32>
      %gather3A_486 = tpu.dynamic_gather %select_n3A_300[%gather3A_485] in [0] : vector<16xf32>, vector<16xi32> -> vector<16xf32>
      %select_n3A_487 = arith.select %eq3A_420, %select_n3A_308, %gather3A_486 : vector<16xi1>, vector<16xf32>
      %broadcast_in_dim3A_488 = vector.shape_cast %xor3A_315 : vector<16xi32> to vector<16x1xi32>
      %gather3A_489 = vector.shape_cast %broadcast_in_dim3A_488 : vector<16x1xi32> to vector<16xi32>
      %gather3A_490 = tpu.dynamic_gather %select_n3A_304[%gather3A_489] in [0] : vector<16xf32>, vector<16xi32> -> vector<16xf32>
      %select_n3A_491 = arith.select %eq3A_427, %select_n3A_312, %gather3A_490 : vector<16xi1>, vector<16xf32>
      %xor3A_492 = arith.constant 4 : i32
      %xor3A_493 = vector.broadcast %xor3A_492 : i32 to vector<16xi32>
      %xor3A_494 = arith.xori %iota3A, %xor3A_493 : vector<16xi32>
      %iota3A_495 = tpu.iota {dimensions = array<i32: 0>} : vector<16xi32>
      %and3A_496 = arith.constant 4 : i32
      %and3A_497 = vector.broadcast %and3A_496 : i32 to vector<16xi32>
      %and3A_498 = arith.andi %iota3A_495, %and3A_497 : vector<16xi32>
      %eq3A_499 = arith.constant 0 : i32
      %eq3A_500 = vector.broadcast %eq3A_499 : i32 to vector<16xi32>
      %eq3A_501 = arith.cmpi eq, %and3A_498, %eq3A_500 : vector<16xi32>
      %iota3A_502 = tpu.iota {dimensions = array<i32: 0>} : vector<16xi32>
      %and3A_503 = arith.constant 4 : i32
      %and3A_504 = vector.broadcast %and3A_503 : i32 to vector<16xi32>
      %and3A_505 = arith.andi %iota3A_502, %and3A_504 : vector<16xi32>
      %eq3A_506 = arith.constant 0 : i32
      %eq3A_507 = vector.broadcast %eq3A_506 : i32 to vector<16xi32>
      %eq3A_508 = arith.cmpi eq, %and3A_505, %eq3A_507 : vector<16xi32>
      %iota3A_509 = tpu.iota {dimensions = array<i32: 0>} : vector<16xi32>
      %and3A_510 = arith.constant 4 : i32
      %and3A_511 = vector.broadcast %and3A_510 : i32 to vector<16xi32>
      %and3A_512 = arith.andi %iota3A_509, %and3A_511 : vector<16xi32>
      %eq3A_513 = arith.constant 0 : i32
      %eq3A_514 = vector.broadcast %eq3A_513 : i32 to vector<16xi32>
      %eq3A_515 = arith.cmpi eq, %and3A_512, %eq3A_514 : vector<16xi32>
      %iota3A_516 = tpu.iota {dimensions = array<i32: 0>} : vector<16xi32>
      %and3A_517 = arith.constant 4 : i32
      %and3A_518 = vector.broadcast %and3A_517 : i32 to vector<16xi32>
      %and3A_519 = arith.andi %iota3A_516, %and3A_518 : vector<16xi32>
      %eq3A_520 = arith.constant 0 : i32
      %eq3A_521 = vector.broadcast %eq3A_520 : i32 to vector<16xi32>
      %eq3A_522 = arith.cmpi eq, %and3A_519, %eq3A_521 : vector<16xi32>
      %iota3A_523 = tpu.iota {dimensions = array<i32: 0>} : vector<16xi32>
      %and3A_524 = arith.constant 4 : i32
      %and3A_525 = vector.broadcast %and3A_524 : i32 to vector<16xi32>
      %and3A_526 = arith.andi %iota3A_523, %and3A_525 : vector<16xi32>
      %eq3A_527 = arith.constant 4 : i32
      %eq3A_528 = vector.broadcast %eq3A_527 : i32 to vector<16xi32>
      %eq3A_529 = arith.cmpi eq, %and3A_526, %eq3A_528 : vector<16xi32>
      %iota3A_530 = tpu.iota {dimensions = array<i32: 0>} : vector<16xi32>
      %and3A_531 = arith.constant 4 : i32
      %and3A_532 = vector.broadcast %and3A_531 : i32 to vector<16xi32>
      %and3A_533 = arith.andi %iota3A_530, %and3A_532 : vector<16xi32>
      %eq3A_534 = arith.constant 4 : i32
      %eq3A_535 = vector.broadcast %eq3A_534 : i32 to vector<16xi32>
      %eq3A_536 = arith.cmpi eq, %and3A_533, %eq3A_535 : vector<16xi32>
      %iota3A_537 = tpu.iota {dimensions = array<i32: 0>} : vector<16xi32>
      %and3A_538 = arith.constant 4 : i32
      %and3A_539 = vector.broadcast %and3A_538 : i32 to vector<16xi32>
      %and3A_540 = arith.andi %iota3A_537, %and3A_539 : vector<16xi32>
      %eq3A_541 = arith.constant 4 : i32
      %eq3A_542 = vector.broadcast %eq3A_541 : i32 to vector<16xi32>
      %eq3A_543 = arith.cmpi eq, %and3A_540, %eq3A_542 : vector<16xi32>
      %iota3A_544 = tpu.iota {dimensions = array<i32: 0>} : vector<16xi32>
      %and3A_545 = arith.constant 4 : i32
      %and3A_546 = vector.broadcast %and3A_545 : i32 to vector<16xi32>
      %and3A_547 = arith.andi %iota3A_544, %and3A_546 : vector<16xi32>
      %eq3A_548 = arith.constant 4 : i32
      %eq3A_549 = vector.broadcast %eq3A_548 : i32 to vector<16xi32>
      %eq3A_550 = arith.cmpi eq, %and3A_547, %eq3A_549 : vector<16xi32>
      %iota3A_551 = tpu.iota {dimensions = array<i32: 0>} : vector<16xi32>
      %and3A_552 = arith.constant 4 : i32
      %and3A_553 = vector.broadcast %and3A_552 : i32 to vector<16xi32>
      %and3A_554 = arith.andi %iota3A_551, %and3A_553 : vector<16xi32>
      %eq3A_555 = arith.constant 0 : i32
      %eq3A_556 = vector.broadcast %eq3A_555 : i32 to vector<16xi32>
      %eq3A_557 = arith.cmpi eq, %and3A_554, %eq3A_556 : vector<16xi32>
      %iota3A_558 = tpu.iota {dimensions = array<i32: 0>} : vector<16xi32>
      %and3A_559 = arith.constant 4 : i32
      %and3A_560 = vector.broadcast %and3A_559 : i32 to vector<16xi32>
      %and3A_561 = arith.andi %iota3A_558, %and3A_560 : vector<16xi32>
      %eq3A_562 = arith.constant 0 : i32
      %eq3A_563 = vector.broadcast %eq3A_562 : i32 to vector<16xi32>
      %eq3A_564 = arith.cmpi eq, %and3A_561, %eq3A_563 : vector<16xi32>
      %iota3A_565 = tpu.iota {dimensions = array<i32: 0>} : vector<16xi32>
      %and3A_566 = arith.constant 4 : i32
      %and3A_567 = vector.broadcast %and3A_566 : i32 to vector<16xi32>
      %and3A_568 = arith.andi %iota3A_565, %and3A_567 : vector<16xi32>
      %eq3A_569 = arith.constant 0 : i32
      %eq3A_570 = vector.broadcast %eq3A_569 : i32 to vector<16xi32>
      %eq3A_571 = arith.cmpi eq, %and3A_568, %eq3A_570 : vector<16xi32>
      %iota3A_572 = tpu.iota {dimensions = array<i32: 0>} : vector<16xi32>
      %and3A_573 = arith.constant 4 : i32
      %and3A_574 = vector.broadcast %and3A_573 : i32 to vector<16xi32>
      %and3A_575 = arith.andi %iota3A_572, %and3A_574 : vector<16xi32>
      %eq3A_576 = arith.constant 0 : i32
      %eq3A_577 = vector.broadcast %eq3A_576 : i32 to vector<16xi32>
      %eq3A_578 = arith.cmpi eq, %and3A_575, %eq3A_577 : vector<16xi32>
      %iota3A_579 = tpu.iota {dimensions = array<i32: 0>} : vector<16xi32>
      %and3A_580 = arith.constant 4 : i32
      %and3A_581 = vector.broadcast %and3A_580 : i32 to vector<16xi32>
      %and3A_582 = arith.andi %iota3A_579, %and3A_581 : vector<16xi32>
      %eq3A_583 = arith.constant 4 : i32
      %eq3A_584 = vector.broadcast %eq3A_583 : i32 to vector<16xi32>
      %eq3A_585 = arith.cmpi eq, %and3A_582, %eq3A_584 : vector<16xi32>
      %iota3A_586 = tpu.iota {dimensions = array<i32: 0>} : vector<16xi32>
      %and3A_587 = arith.constant 4 : i32
      %and3A_588 = vector.broadcast %and3A_587 : i32 to vector<16xi32>
      %and3A_589 = arith.andi %iota3A_586, %and3A_588 : vector<16xi32>
      %eq3A_590 = arith.constant 4 : i32
      %eq3A_591 = vector.broadcast %eq3A_590 : i32 to vector<16xi32>
      %eq3A_592 = arith.cmpi eq, %and3A_589, %eq3A_591 : vector<16xi32>
      %iota3A_593 = tpu.iota {dimensions = array<i32: 0>} : vector<16xi32>
      %and3A_594 = arith.constant 4 : i32
      %and3A_595 = vector.broadcast %and3A_594 : i32 to vector<16xi32>
      %and3A_596 = arith.andi %iota3A_593, %and3A_595 : vector<16xi32>
      %eq3A_597 = arith.constant 4 : i32
      %eq3A_598 = vector.broadcast %eq3A_597 : i32 to vector<16xi32>
      %eq3A_599 = arith.cmpi eq, %and3A_596, %eq3A_598 : vector<16xi32>
      %iota3A_600 = tpu.iota {dimensions = array<i32: 0>} : vector<16xi32>
      %and3A_601 = arith.constant 4 : i32
      %and3A_602 = vector.broadcast %and3A_601 : i32 to vector<16xi32>
      %and3A_603 = arith.andi %iota3A_600, %and3A_602 : vector<16xi32>
      %eq3A_604 = arith.constant 4 : i32
      %eq3A_605 = vector.broadcast %eq3A_604 : i32 to vector<16xi32>
      %eq3A_606 = arith.cmpi eq, %and3A_603, %eq3A_605 : vector<16xi32>
      %broadcast_in_dim3A_607 = vector.shape_cast %xor3A_494 : vector<16xi32> to vector<16x1xi32>
      %gather3A_608 = vector.shape_cast %broadcast_in_dim3A_607 : vector<16x1xi32> to vector<16xi32>
      %gather3A_609 = tpu.dynamic_gather %select_n3A_447[%gather3A_608] in [0] : vector<16xf32>, vector<16xi32> -> vector<16xf32>
      %select_n3A_610 = arith.select %eq3A_501, %select_n3A_431, %gather3A_609 : vector<16xi1>, vector<16xf32>
      %broadcast_in_dim3A_611 = vector.shape_cast %xor3A_494 : vector<16xi32> to vector<16x1xi32>
      %gather3A_612 = vector.shape_cast %broadcast_in_dim3A_611 : vector<16x1xi32> to vector<16xi32>
      %gather3A_613 = tpu.dynamic_gather %select_n3A_451[%gather3A_612] in [0] : vector<16xf32>, vector<16xi32> -> vector<16xf32>
      %select_n3A_614 = arith.select %eq3A_508, %select_n3A_435, %gather3A_613 : vector<16xi1>, vector<16xf32>
      %broadcast_in_dim3A_615 = vector.shape_cast %xor3A_494 : vector<16xi32> to vector<16x1xi32>
      %gather3A_616 = vector.shape_cast %broadcast_in_dim3A_615 : vector<16x1xi32> to vector<16xi32>
      %gather3A_617 = tpu.dynamic_gather %select_n3A_455[%gather3A_616] in [0] : vector<16xf32>, vector<16xi32> -> vector<16xf32>
      %select_n3A_618 = arith.select %eq3A_515, %select_n3A_439, %gather3A_617 : vector<16xi1>, vector<16xf32>
      %broadcast_in_dim3A_619 = vector.shape_cast %xor3A_494 : vector<16xi32> to vector<16x1xi32>
      %gather3A_620 = vector.shape_cast %broadcast_in_dim3A_619 : vector<16x1xi32> to vector<16xi32>
      %gather3A_621 = tpu.dynamic_gather %select_n3A_459[%gather3A_620] in [0] : vector<16xf32>, vector<16xi32> -> vector<16xf32>
      %select_n3A_622 = arith.select %eq3A_522, %select_n3A_443, %gather3A_621 : vector<16xi1>, vector<16xf32>
      %broadcast_in_dim3A_623 = vector.shape_cast %xor3A_494 : vector<16xi32> to vector<16x1xi32>
      %gather3A_624 = vector.shape_cast %broadcast_in_dim3A_623 : vector<16x1xi32> to vector<16xi32>
      %gather3A_625 = tpu.dynamic_gather %select_n3A_431[%gather3A_624] in [0] : vector<16xf32>, vector<16xi32> -> vector<16xf32>
      %select_n3A_626 = arith.select %eq3A_529, %select_n3A_447, %gather3A_625 : vector<16xi1>, vector<16xf32>
      %broadcast_in_dim3A_627 = vector.shape_cast %xor3A_494 : vector<16xi32> to vector<16x1xi32>
      %gather3A_628 = vector.shape_cast %broadcast_in_dim3A_627 : vector<16x1xi32> to vector<16xi32>
      %gather3A_629 = tpu.dynamic_gather %select_n3A_435[%gather3A_628] in [0] : vector<16xf32>, vector<16xi32> -> vector<16xf32>
      %select_n3A_630 = arith.select %eq3A_536, %select_n3A_451, %gather3A_629 : vector<16xi1>, vector<16xf32>
      %broadcast_in_dim3A_631 = vector.shape_cast %xor3A_494 : vector<16xi32> to vector<16x1xi32>
      %gather3A_632 = vector.shape_cast %broadcast_in_dim3A_631 : vector<16x1xi32> to vector<16xi32>
      %gather3A_633 = tpu.dynamic_gather %select_n3A_439[%gather3A_632] in [0] : vector<16xf32>, vector<16xi32> -> vector<16xf32>
      %select_n3A_634 = arith.select %eq3A_543, %select_n3A_455, %gather3A_633 : vector<16xi1>, vector<16xf32>
      %broadcast_in_dim3A_635 = vector.shape_cast %xor3A_494 : vector<16xi32> to vector<16x1xi32>
      %gather3A_636 = vector.shape_cast %broadcast_in_dim3A_635 : vector<16x1xi32> to vector<16xi32>
      %gather3A_637 = tpu.dynamic_gather %select_n3A_443[%gather3A_636] in [0] : vector<16xf32>, vector<16xi32> -> vector<16xf32>
      %select_n3A_638 = arith.select %eq3A_550, %select_n3A_459, %gather3A_637 : vector<16xi1>, vector<16xf32>
      %broadcast_in_dim3A_639 = vector.shape_cast %xor3A_494 : vector<16xi32> to vector<16x1xi32>
      %gather3A_640 = vector.shape_cast %broadcast_in_dim3A_639 : vector<16x1xi32> to vector<16xi32>
      %gather3A_641 = tpu.dynamic_gather %select_n3A_479[%gather3A_640] in [0] : vector<16xf32>, vector<16xi32> -> vector<16xf32>
      %select_n3A_642 = arith.select %eq3A_557, %select_n3A_463, %gather3A_641 : vector<16xi1>, vector<16xf32>
      %broadcast_in_dim3A_643 = vector.shape_cast %xor3A_494 : vector<16xi32> to vector<16x1xi32>
      %gather3A_644 = vector.shape_cast %broadcast_in_dim3A_643 : vector<16x1xi32> to vector<16xi32>
      %gather3A_645 = tpu.dynamic_gather %select_n3A_483[%gather3A_644] in [0] : vector<16xf32>, vector<16xi32> -> vector<16xf32>
      %select_n3A_646 = arith.select %eq3A_564, %select_n3A_467, %gather3A_645 : vector<16xi1>, vector<16xf32>
      %broadcast_in_dim3A_647 = vector.shape_cast %xor3A_494 : vector<16xi32> to vector<16x1xi32>
      %gather3A_648 = vector.shape_cast %broadcast_in_dim3A_647 : vector<16x1xi32> to vector<16xi32>
      %gather3A_649 = tpu.dynamic_gather %select_n3A_487[%gather3A_648] in [0] : vector<16xf32>, vector<16xi32> -> vector<16xf32>
      %select_n3A_650 = arith.select %eq3A_571, %select_n3A_471, %gather3A_649 : vector<16xi1>, vector<16xf32>
      %broadcast_in_dim3A_651 = vector.shape_cast %xor3A_494 : vector<16xi32> to vector<16x1xi32>
      %gather3A_652 = vector.shape_cast %broadcast_in_dim3A_651 : vector<16x1xi32> to vector<16xi32>
      %gather3A_653 = tpu.dynamic_gather %select_n3A_491[%gather3A_652] in [0] : vector<16xf32>, vector<16xi32> -> vector<16xf32>
      %select_n3A_654 = arith.select %eq3A_578, %select_n3A_475, %gather3A_653 : vector<16xi1>, vector<16xf32>
      %broadcast_in_dim3A_655 = vector.shape_cast %xor3A_494 : vector<16xi32> to vector<16x1xi32>
      %gather3A_656 = vector.shape_cast %broadcast_in_dim3A_655 : vector<16x1xi32> to vector<16xi32>
      %gather3A_657 = tpu.dynamic_gather %select_n3A_463[%gather3A_656] in [0] : vector<16xf32>, vector<16xi32> -> vector<16xf32>
      %select_n3A_658 = arith.select %eq3A_585, %select_n3A_479, %gather3A_657 : vector<16xi1>, vector<16xf32>
      %broadcast_in_dim3A_659 = vector.shape_cast %xor3A_494 : vector<16xi32> to vector<16x1xi32>
      %gather3A_660 = vector.shape_cast %broadcast_in_dim3A_659 : vector<16x1xi32> to vector<16xi32>
      %gather3A_661 = tpu.dynamic_gather %select_n3A_467[%gather3A_660] in [0] : vector<16xf32>, vector<16xi32> -> vector<16xf32>
      %select_n3A_662 = arith.select %eq3A_592, %select_n3A_483, %gather3A_661 : vector<16xi1>, vector<16xf32>
      %broadcast_in_dim3A_663 = vector.shape_cast %xor3A_494 : vector<16xi32> to vector<16x1xi32>
      %gather3A_664 = vector.shape_cast %broadcast_in_dim3A_663 : vector<16x1xi32> to vector<16xi32>
      %gather3A_665 = tpu.dynamic_gather %select_n3A_471[%gather3A_664] in [0] : vector<16xf32>, vector<16xi32> -> vector<16xf32>
      %select_n3A_666 = arith.select %eq3A_599, %select_n3A_487, %gather3A_665 : vector<16xi1>, vector<16xf32>
      %broadcast_in_dim3A_667 = vector.shape_cast %xor3A_494 : vector<16xi32> to vector<16x1xi32>
      %gather3A_668 = vector.shape_cast %broadcast_in_dim3A_667 : vector<16x1xi32> to vector<16xi32>
      %gather3A_669 = tpu.dynamic_gather %select_n3A_475[%gather3A_668] in [0] : vector<16xf32>, vector<16xi32> -> vector<16xf32>
      %select_n3A_670 = arith.select %eq3A_606, %select_n3A_491, %gather3A_669 : vector<16xi1>, vector<16xf32>
      %xor3A_671 = arith.constant 8 : i32
      %xor3A_672 = vector.broadcast %xor3A_671 : i32 to vector<16xi32>
      %xor3A_673 = arith.xori %iota3A, %xor3A_672 : vector<16xi32>
      %iota3A_674 = tpu.iota {dimensions = array<i32: 0>} : vector<16xi32>
      %and3A_675 = arith.constant 8 : i32
      %and3A_676 = vector.broadcast %and3A_675 : i32 to vector<16xi32>
      %and3A_677 = arith.andi %iota3A_674, %and3A_676 : vector<16xi32>
      %eq3A_678 = arith.constant 0 : i32
      %eq3A_679 = vector.broadcast %eq3A_678 : i32 to vector<16xi32>
      %eq3A_680 = arith.cmpi eq, %and3A_677, %eq3A_679 : vector<16xi32>
      %iota3A_681 = tpu.iota {dimensions = array<i32: 0>} : vector<16xi32>
      %and3A_682 = arith.constant 8 : i32
      %and3A_683 = vector.broadcast %and3A_682 : i32 to vector<16xi32>
      %and3A_684 = arith.andi %iota3A_681, %and3A_683 : vector<16xi32>
      %eq3A_685 = arith.constant 0 : i32
      %eq3A_686 = vector.broadcast %eq3A_685 : i32 to vector<16xi32>
      %eq3A_687 = arith.cmpi eq, %and3A_684, %eq3A_686 : vector<16xi32>
      %iota3A_688 = tpu.iota {dimensions = array<i32: 0>} : vector<16xi32>
      %and3A_689 = arith.constant 8 : i32
      %and3A_690 = vector.broadcast %and3A_689 : i32 to vector<16xi32>
      %and3A_691 = arith.andi %iota3A_688, %and3A_690 : vector<16xi32>
      %eq3A_692 = arith.constant 0 : i32
      %eq3A_693 = vector.broadcast %eq3A_692 : i32 to vector<16xi32>
      %eq3A_694 = arith.cmpi eq, %and3A_691, %eq3A_693 : vector<16xi32>
      %iota3A_695 = tpu.iota {dimensions = array<i32: 0>} : vector<16xi32>
      %and3A_696 = arith.constant 8 : i32
      %and3A_697 = vector.broadcast %and3A_696 : i32 to vector<16xi32>
      %and3A_698 = arith.andi %iota3A_695, %and3A_697 : vector<16xi32>
      %eq3A_699 = arith.constant 0 : i32
      %eq3A_700 = vector.broadcast %eq3A_699 : i32 to vector<16xi32>
      %eq3A_701 = arith.cmpi eq, %and3A_698, %eq3A_700 : vector<16xi32>
      %iota3A_702 = tpu.iota {dimensions = array<i32: 0>} : vector<16xi32>
      %and3A_703 = arith.constant 8 : i32
      %and3A_704 = vector.broadcast %and3A_703 : i32 to vector<16xi32>
      %and3A_705 = arith.andi %iota3A_702, %and3A_704 : vector<16xi32>
      %eq3A_706 = arith.constant 0 : i32
      %eq3A_707 = vector.broadcast %eq3A_706 : i32 to vector<16xi32>
      %eq3A_708 = arith.cmpi eq, %and3A_705, %eq3A_707 : vector<16xi32>
      %iota3A_709 = tpu.iota {dimensions = array<i32: 0>} : vector<16xi32>
      %and3A_710 = arith.constant 8 : i32
      %and3A_711 = vector.broadcast %and3A_710 : i32 to vector<16xi32>
      %and3A_712 = arith.andi %iota3A_709, %and3A_711 : vector<16xi32>
      %eq3A_713 = arith.constant 0 : i32
      %eq3A_714 = vector.broadcast %eq3A_713 : i32 to vector<16xi32>
      %eq3A_715 = arith.cmpi eq, %and3A_712, %eq3A_714 : vector<16xi32>
      %iota3A_716 = tpu.iota {dimensions = array<i32: 0>} : vector<16xi32>
      %and3A_717 = arith.constant 8 : i32
      %and3A_718 = vector.broadcast %and3A_717 : i32 to vector<16xi32>
      %and3A_719 = arith.andi %iota3A_716, %and3A_718 : vector<16xi32>
      %eq3A_720 = arith.constant 0 : i32
      %eq3A_721 = vector.broadcast %eq3A_720 : i32 to vector<16xi32>
      %eq3A_722 = arith.cmpi eq, %and3A_719, %eq3A_721 : vector<16xi32>
      %iota3A_723 = tpu.iota {dimensions = array<i32: 0>} : vector<16xi32>
      %and3A_724 = arith.constant 8 : i32
      %and3A_725 = vector.broadcast %and3A_724 : i32 to vector<16xi32>
      %and3A_726 = arith.andi %iota3A_723, %and3A_725 : vector<16xi32>
      %eq3A_727 = arith.constant 0 : i32
      %eq3A_728 = vector.broadcast %eq3A_727 : i32 to vector<16xi32>
      %eq3A_729 = arith.cmpi eq, %and3A_726, %eq3A_728 : vector<16xi32>
      %iota3A_730 = tpu.iota {dimensions = array<i32: 0>} : vector<16xi32>
      %and3A_731 = arith.constant 8 : i32
      %and3A_732 = vector.broadcast %and3A_731 : i32 to vector<16xi32>
      %and3A_733 = arith.andi %iota3A_730, %and3A_732 : vector<16xi32>
      %eq3A_734 = arith.constant 8 : i32
      %eq3A_735 = vector.broadcast %eq3A_734 : i32 to vector<16xi32>
      %eq3A_736 = arith.cmpi eq, %and3A_733, %eq3A_735 : vector<16xi32>
      %iota3A_737 = tpu.iota {dimensions = array<i32: 0>} : vector<16xi32>
      %and3A_738 = arith.constant 8 : i32
      %and3A_739 = vector.broadcast %and3A_738 : i32 to vector<16xi32>
      %and3A_740 = arith.andi %iota3A_737, %and3A_739 : vector<16xi32>
      %eq3A_741 = arith.constant 8 : i32
      %eq3A_742 = vector.broadcast %eq3A_741 : i32 to vector<16xi32>
      %eq3A_743 = arith.cmpi eq, %and3A_740, %eq3A_742 : vector<16xi32>
      %iota3A_744 = tpu.iota {dimensions = array<i32: 0>} : vector<16xi32>
      %and3A_745 = arith.constant 8 : i32
      %and3A_746 = vector.broadcast %and3A_745 : i32 to vector<16xi32>
      %and3A_747 = arith.andi %iota3A_744, %and3A_746 : vector<16xi32>
      %eq3A_748 = arith.constant 8 : i32
      %eq3A_749 = vector.broadcast %eq3A_748 : i32 to vector<16xi32>
      %eq3A_750 = arith.cmpi eq, %and3A_747, %eq3A_749 : vector<16xi32>
      %iota3A_751 = tpu.iota {dimensions = array<i32: 0>} : vector<16xi32>
      %and3A_752 = arith.constant 8 : i32
      %and3A_753 = vector.broadcast %and3A_752 : i32 to vector<16xi32>
      %and3A_754 = arith.andi %iota3A_751, %and3A_753 : vector<16xi32>
      %eq3A_755 = arith.constant 8 : i32
      %eq3A_756 = vector.broadcast %eq3A_755 : i32 to vector<16xi32>
      %eq3A_757 = arith.cmpi eq, %and3A_754, %eq3A_756 : vector<16xi32>
      %iota3A_758 = tpu.iota {dimensions = array<i32: 0>} : vector<16xi32>
      %and3A_759 = arith.constant 8 : i32
      %and3A_760 = vector.broadcast %and3A_759 : i32 to vector<16xi32>
      %and3A_761 = arith.andi %iota3A_758, %and3A_760 : vector<16xi32>
      %eq3A_762 = arith.constant 8 : i32
      %eq3A_763 = vector.broadcast %eq3A_762 : i32 to vector<16xi32>
      %eq3A_764 = arith.cmpi eq, %and3A_761, %eq3A_763 : vector<16xi32>
      %iota3A_765 = tpu.iota {dimensions = array<i32: 0>} : vector<16xi32>
      %and3A_766 = arith.constant 8 : i32
      %and3A_767 = vector.broadcast %and3A_766 : i32 to vector<16xi32>
      %and3A_768 = arith.andi %iota3A_765, %and3A_767 : vector<16xi32>
      %eq3A_769 = arith.constant 8 : i32
      %eq3A_770 = vector.broadcast %eq3A_769 : i32 to vector<16xi32>
      %eq3A_771 = arith.cmpi eq, %and3A_768, %eq3A_770 : vector<16xi32>
      %iota3A_772 = tpu.iota {dimensions = array<i32: 0>} : vector<16xi32>
      %and3A_773 = arith.constant 8 : i32
      %and3A_774 = vector.broadcast %and3A_773 : i32 to vector<16xi32>
      %and3A_775 = arith.andi %iota3A_772, %and3A_774 : vector<16xi32>
      %eq3A_776 = arith.constant 8 : i32
      %eq3A_777 = vector.broadcast %eq3A_776 : i32 to vector<16xi32>
      %eq3A_778 = arith.cmpi eq, %and3A_775, %eq3A_777 : vector<16xi32>
      %iota3A_779 = tpu.iota {dimensions = array<i32: 0>} : vector<16xi32>
      %and3A_780 = arith.constant 8 : i32
      %and3A_781 = vector.broadcast %and3A_780 : i32 to vector<16xi32>
      %and3A_782 = arith.andi %iota3A_779, %and3A_781 : vector<16xi32>
      %eq3A_783 = arith.constant 8 : i32
      %eq3A_784 = vector.broadcast %eq3A_783 : i32 to vector<16xi32>
      %eq3A_785 = arith.cmpi eq, %and3A_782, %eq3A_784 : vector<16xi32>
      %broadcast_in_dim3A_786 = vector.shape_cast %xor3A_673 : vector<16xi32> to vector<16x1xi32>
      %gather3A_787 = vector.shape_cast %broadcast_in_dim3A_786 : vector<16x1xi32> to vector<16xi32>
      %gather3A_788 = tpu.dynamic_gather %select_n3A_642[%gather3A_787] in [0] : vector<16xf32>, vector<16xi32> -> vector<16xf32>
      %select_n3A_789 = arith.select %eq3A_680, %select_n3A_610, %gather3A_788 : vector<16xi1>, vector<16xf32>
      %broadcast_in_dim3A_790 = vector.shape_cast %xor3A_673 : vector<16xi32> to vector<16x1xi32>
      %gather3A_791 = vector.shape_cast %broadcast_in_dim3A_790 : vector<16x1xi32> to vector<16xi32>
      %gather3A_792 = tpu.dynamic_gather %select_n3A_646[%gather3A_791] in [0] : vector<16xf32>, vector<16xi32> -> vector<16xf32>
      %select_n3A_793 = arith.select %eq3A_687, %select_n3A_614, %gather3A_792 : vector<16xi1>, vector<16xf32>
      %broadcast_in_dim3A_794 = vector.shape_cast %xor3A_673 : vector<16xi32> to vector<16x1xi32>
      %gather3A_795 = vector.shape_cast %broadcast_in_dim3A_794 : vector<16x1xi32> to vector<16xi32>
      %gather3A_796 = tpu.dynamic_gather %select_n3A_650[%gather3A_795] in [0] : vector<16xf32>, vector<16xi32> -> vector<16xf32>
      %select_n3A_797 = arith.select %eq3A_694, %select_n3A_618, %gather3A_796 : vector<16xi1>, vector<16xf32>
      %broadcast_in_dim3A_798 = vector.shape_cast %xor3A_673 : vector<16xi32> to vector<16x1xi32>
      %gather3A_799 = vector.shape_cast %broadcast_in_dim3A_798 : vector<16x1xi32> to vector<16xi32>
      %gather3A_800 = tpu.dynamic_gather %select_n3A_654[%gather3A_799] in [0] : vector<16xf32>, vector<16xi32> -> vector<16xf32>
      %select_n3A_801 = arith.select %eq3A_701, %select_n3A_622, %gather3A_800 : vector<16xi1>, vector<16xf32>
      %broadcast_in_dim3A_802 = vector.shape_cast %xor3A_673 : vector<16xi32> to vector<16x1xi32>
      %gather3A_803 = vector.shape_cast %broadcast_in_dim3A_802 : vector<16x1xi32> to vector<16xi32>
      %gather3A_804 = tpu.dynamic_gather %select_n3A_658[%gather3A_803] in [0] : vector<16xf32>, vector<16xi32> -> vector<16xf32>
      %select_n3A_805 = arith.select %eq3A_708, %select_n3A_626, %gather3A_804 : vector<16xi1>, vector<16xf32>
      %broadcast_in_dim3A_806 = vector.shape_cast %xor3A_673 : vector<16xi32> to vector<16x1xi32>
      %gather3A_807 = vector.shape_cast %broadcast_in_dim3A_806 : vector<16x1xi32> to vector<16xi32>
      %gather3A_808 = tpu.dynamic_gather %select_n3A_662[%gather3A_807] in [0] : vector<16xf32>, vector<16xi32> -> vector<16xf32>
      %select_n3A_809 = arith.select %eq3A_715, %select_n3A_630, %gather3A_808 : vector<16xi1>, vector<16xf32>
      %broadcast_in_dim3A_810 = vector.shape_cast %xor3A_673 : vector<16xi32> to vector<16x1xi32>
      %gather3A_811 = vector.shape_cast %broadcast_in_dim3A_810 : vector<16x1xi32> to vector<16xi32>
      %gather3A_812 = tpu.dynamic_gather %select_n3A_666[%gather3A_811] in [0] : vector<16xf32>, vector<16xi32> -> vector<16xf32>
      %select_n3A_813 = arith.select %eq3A_722, %select_n3A_634, %gather3A_812 : vector<16xi1>, vector<16xf32>
      %broadcast_in_dim3A_814 = vector.shape_cast %xor3A_673 : vector<16xi32> to vector<16x1xi32>
      %gather3A_815 = vector.shape_cast %broadcast_in_dim3A_814 : vector<16x1xi32> to vector<16xi32>
      %gather3A_816 = tpu.dynamic_gather %select_n3A_670[%gather3A_815] in [0] : vector<16xf32>, vector<16xi32> -> vector<16xf32>
      %select_n3A_817 = arith.select %eq3A_729, %select_n3A_638, %gather3A_816 : vector<16xi1>, vector<16xf32>
      %broadcast_in_dim3A_818 = vector.shape_cast %xor3A_673 : vector<16xi32> to vector<16x1xi32>
      %gather3A_819 = vector.shape_cast %broadcast_in_dim3A_818 : vector<16x1xi32> to vector<16xi32>
      %gather3A_820 = tpu.dynamic_gather %select_n3A_610[%gather3A_819] in [0] : vector<16xf32>, vector<16xi32> -> vector<16xf32>
      %select_n3A_821 = arith.select %eq3A_736, %select_n3A_642, %gather3A_820 : vector<16xi1>, vector<16xf32>
      %broadcast_in_dim3A_822 = vector.shape_cast %xor3A_673 : vector<16xi32> to vector<16x1xi32>
      %gather3A_823 = vector.shape_cast %broadcast_in_dim3A_822 : vector<16x1xi32> to vector<16xi32>
      %gather3A_824 = tpu.dynamic_gather %select_n3A_614[%gather3A_823] in [0] : vector<16xf32>, vector<16xi32> -> vector<16xf32>
      %select_n3A_825 = arith.select %eq3A_743, %select_n3A_646, %gather3A_824 : vector<16xi1>, vector<16xf32>
      %broadcast_in_dim3A_826 = vector.shape_cast %xor3A_673 : vector<16xi32> to vector<16x1xi32>
      %gather3A_827 = vector.shape_cast %broadcast_in_dim3A_826 : vector<16x1xi32> to vector<16xi32>
      %gather3A_828 = tpu.dynamic_gather %select_n3A_618[%gather3A_827] in [0] : vector<16xf32>, vector<16xi32> -> vector<16xf32>
      %select_n3A_829 = arith.select %eq3A_750, %select_n3A_650, %gather3A_828 : vector<16xi1>, vector<16xf32>
      %broadcast_in_dim3A_830 = vector.shape_cast %xor3A_673 : vector<16xi32> to vector<16x1xi32>
      %gather3A_831 = vector.shape_cast %broadcast_in_dim3A_830 : vector<16x1xi32> to vector<16xi32>
      %gather3A_832 = tpu.dynamic_gather %select_n3A_622[%gather3A_831] in [0] : vector<16xf32>, vector<16xi32> -> vector<16xf32>
      %select_n3A_833 = arith.select %eq3A_757, %select_n3A_654, %gather3A_832 : vector<16xi1>, vector<16xf32>
      %broadcast_in_dim3A_834 = vector.shape_cast %xor3A_673 : vector<16xi32> to vector<16x1xi32>
      %gather3A_835 = vector.shape_cast %broadcast_in_dim3A_834 : vector<16x1xi32> to vector<16xi32>
      %gather3A_836 = tpu.dynamic_gather %select_n3A_626[%gather3A_835] in [0] : vector<16xf32>, vector<16xi32> -> vector<16xf32>
      %select_n3A_837 = arith.select %eq3A_764, %select_n3A_658, %gather3A_836 : vector<16xi1>, vector<16xf32>
      %broadcast_in_dim3A_838 = vector.shape_cast %xor3A_673 : vector<16xi32> to vector<16x1xi32>
      %gather3A_839 = vector.shape_cast %broadcast_in_dim3A_838 : vector<16x1xi32> to vector<16xi32>
      %gather3A_840 = tpu.dynamic_gather %select_n3A_630[%gather3A_839] in [0] : vector<16xf32>, vector<16xi32> -> vector<16xf32>
      %select_n3A_841 = arith.select %eq3A_771, %select_n3A_662, %gather3A_840 : vector<16xi1>, vector<16xf32>
      %broadcast_in_dim3A_842 = vector.shape_cast %xor3A_673 : vector<16xi32> to vector<16x1xi32>
      %gather3A_843 = vector.shape_cast %broadcast_in_dim3A_842 : vector<16x1xi32> to vector<16xi32>
      %gather3A_844 = tpu.dynamic_gather %select_n3A_634[%gather3A_843] in [0] : vector<16xf32>, vector<16xi32> -> vector<16xf32>
      %select_n3A_845 = arith.select %eq3A_778, %select_n3A_666, %gather3A_844 : vector<16xi1>, vector<16xf32>
      %broadcast_in_dim3A_846 = vector.shape_cast %xor3A_673 : vector<16xi32> to vector<16x1xi32>
      %gather3A_847 = vector.shape_cast %broadcast_in_dim3A_846 : vector<16x1xi32> to vector<16xi32>
      %gather3A_848 = tpu.dynamic_gather %select_n3A_638[%gather3A_847] in [0] : vector<16xf32>, vector<16xi32> -> vector<16xf32>
      %select_n3A_849 = arith.select %eq3A_785, %select_n3A_670, %gather3A_848 : vector<16xi1>, vector<16xf32>
      %add3A_850 = arith.addf %broadcast_in_dim3A_3, %scan3A_27 : vector<16xf32>
      %add3A_851 = arith.addf %add3A_850, %scan3A_26 : vector<16xf32>
      %add3A_852 = arith.addf %add3A_851, %scan3A_25 : vector<16xf32>
      %add3A_853 = arith.addf %add3A_852, %scan3A_24 : vector<16xf32>
      %add3A_854 = arith.addf %add3A_853, %scan3A_23 : vector<16xf32>
      %add3A_855 = arith.addf %add3A_854, %scan3A_22 : vector<16xf32>
      %add3A_856 = arith.addf %add3A_855, %scan3A_21 : vector<16xf32>
      %add3A_857 = arith.addf %add3A_856, %scan3A_20 : vector<16xf32>
      %add3A_858 = arith.addf %add3A_857, %scan3A_19 : vector<16xf32>
      %add3A_859 = arith.addf %add3A_858, %scan3A_18 : vector<16xf32>
      %add3A_860 = arith.addf %add3A_859, %scan3A_17 : vector<16xf32>
      %add3A_861 = arith.addf %add3A_860, %scan3A_16 : vector<16xf32>
      %add3A_862 = arith.addf %add3A_861, %scan3A_15 : vector<16xf32>
      %add3A_863 = arith.addf %add3A_862, %scan3A_14 : vector<16xf32>
      %add3A_864 = arith.addf %add3A_863, %scan3A_13 : vector<16xf32>
      %neg3A = arith.constant 0.000000e+00 : f32
      %neg3A_865 = vector.broadcast %neg3A : f32 to vector<16xf32>
      %neg3A_866 = arith.subf %neg3A_865, %select_n3A_789 : vector<16xf32>
      %exp3A = math.exp %neg3A_866 : vector<16xf32>
      %add3A_867 = arith.addf %broadcast_in_dim3A_5, %exp3A : vector<16xf32>
      %div3A = arith.divf %broadcast_in_dim3A_5, %add3A_867 : vector<16xf32>
      %sub3A = arith.subf %broadcast_in_dim3A_5, %div3A : vector<16xf32>
      %broadcast_in_dim3A_868 = arith.constant -1.400000e+01 : f32
      %broadcast_in_dim3A_869 = vector.broadcast %broadcast_in_dim3A_868 : f32 to vector<16xf32>
      %add3A_870 = arith.addf %broadcast_in_dim3A_869, %add3A_864 : vector<16xf32>
      %sub3A_871 = arith.subf %broadcast_in_dim3A_5, %scan3A_12 : vector<16xf32>
      %sub3A_872 = arith.subf %add3A_870, %broadcast_in_dim3A_3 : vector<16xf32>
      %max3A = arith.maximumf %broadcast_in_dim3A_3, %sub3A_872 : vector<16xf32>
      %sub3A_873 = arith.subf %broadcast_in_dim3A_5, %broadcast_in_dim3A_3 : vector<16xf32>
      %min3A = arith.minimumf %sub3A_873, %sub3A_871 : vector<16xf32>
      %mul3A_874 = arith.mulf %sub3A, %max3A : vector<16xf32>
      %mul3A_875 = arith.mulf %div3A, %min3A : vector<16xf32>
      %add3A_876 = arith.addf %mul3A_874, %mul3A_875 : vector<16xf32>
      %add3A_877 = arith.addf %broadcast_in_dim3A_3, %add3A_876 : vector<16xf32>
      %add3A_878 = arith.addf %scan3A_12, %add3A_876 : vector<16xf32>
      %neg3A_879 = arith.constant 0.000000e+00 : f32
      %neg3A_880 = vector.broadcast %neg3A_879 : f32 to vector<16xf32>
      %neg3A_881 = arith.subf %neg3A_880, %select_n3A_793 : vector<16xf32>
      %exp3A_882 = math.exp %neg3A_881 : vector<16xf32>
      %add3A_883 = arith.addf %broadcast_in_dim3A_5, %exp3A_882 : vector<16xf32>
      %div3A_884 = arith.divf %broadcast_in_dim3A_5, %add3A_883 : vector<16xf32>
      %sub3A_885 = arith.subf %broadcast_in_dim3A_5, %div3A_884 : vector<16xf32>
      %broadcast_in_dim3A_886 = arith.constant -1.300000e+01 : f32
      %broadcast_in_dim3A_887 = vector.broadcast %broadcast_in_dim3A_886 : f32 to vector<16xf32>
      %add3A_888 = arith.addf %broadcast_in_dim3A_887, %add3A_863 : vector<16xf32>
      %sub3A_889 = arith.subf %broadcast_in_dim3A_5, %scan3A_13 : vector<16xf32>
      %sub3A_890 = arith.subf %add3A_888, %add3A_877 : vector<16xf32>
      %max3A_891 = arith.maximumf %broadcast_in_dim3A_3, %sub3A_890 : vector<16xf32>
      %sub3A_892 = arith.subf %broadcast_in_dim3A_5, %add3A_877 : vector<16xf32>
      %min3A_893 = arith.minimumf %sub3A_892, %sub3A_889 : vector<16xf32>
      %mul3A_894 = arith.mulf %sub3A_885, %max3A_891 : vector<16xf32>
      %mul3A_895 = arith.mulf %div3A_884, %min3A_893 : vector<16xf32>
      %add3A_896 = arith.addf %mul3A_894, %mul3A_895 : vector<16xf32>
      %add3A_897 = arith.addf %add3A_877, %add3A_896 : vector<16xf32>
      %add3A_898 = arith.addf %scan3A_13, %add3A_896 : vector<16xf32>
      %neg3A_899 = arith.constant 0.000000e+00 : f32
      %neg3A_900 = vector.broadcast %neg3A_899 : f32 to vector<16xf32>
      %neg3A_901 = arith.subf %neg3A_900, %select_n3A_797 : vector<16xf32>
      %exp3A_902 = math.exp %neg3A_901 : vector<16xf32>
      %add3A_903 = arith.addf %broadcast_in_dim3A_5, %exp3A_902 : vector<16xf32>
      %div3A_904 = arith.divf %broadcast_in_dim3A_5, %add3A_903 : vector<16xf32>
      %sub3A_905 = arith.subf %broadcast_in_dim3A_5, %div3A_904 : vector<16xf32>
      %broadcast_in_dim3A_906 = arith.constant -1.200000e+01 : f32
      %broadcast_in_dim3A_907 = vector.broadcast %broadcast_in_dim3A_906 : f32 to vector<16xf32>
      %add3A_908 = arith.addf %broadcast_in_dim3A_907, %add3A_862 : vector<16xf32>
      %sub3A_909 = arith.subf %broadcast_in_dim3A_5, %scan3A_14 : vector<16xf32>
      %sub3A_910 = arith.subf %add3A_908, %add3A_897 : vector<16xf32>
      %max3A_911 = arith.maximumf %broadcast_in_dim3A_3, %sub3A_910 : vector<16xf32>
      %sub3A_912 = arith.subf %broadcast_in_dim3A_5, %add3A_897 : vector<16xf32>
      %min3A_913 = arith.minimumf %sub3A_912, %sub3A_909 : vector<16xf32>
      %mul3A_914 = arith.mulf %sub3A_905, %max3A_911 : vector<16xf32>
      %mul3A_915 = arith.mulf %div3A_904, %min3A_913 : vector<16xf32>
      %add3A_916 = arith.addf %mul3A_914, %mul3A_915 : vector<16xf32>
      %add3A_917 = arith.addf %add3A_897, %add3A_916 : vector<16xf32>
      %add3A_918 = arith.addf %scan3A_14, %add3A_916 : vector<16xf32>
      %neg3A_919 = arith.constant 0.000000e+00 : f32
      %neg3A_920 = vector.broadcast %neg3A_919 : f32 to vector<16xf32>
      %neg3A_921 = arith.subf %neg3A_920, %select_n3A_801 : vector<16xf32>
      %exp3A_922 = math.exp %neg3A_921 : vector<16xf32>
      %add3A_923 = arith.addf %broadcast_in_dim3A_5, %exp3A_922 : vector<16xf32>
      %div3A_924 = arith.divf %broadcast_in_dim3A_5, %add3A_923 : vector<16xf32>
      %sub3A_925 = arith.subf %broadcast_in_dim3A_5, %div3A_924 : vector<16xf32>
      %broadcast_in_dim3A_926 = arith.constant -1.100000e+01 : f32
      %broadcast_in_dim3A_927 = vector.broadcast %broadcast_in_dim3A_926 : f32 to vector<16xf32>
      %add3A_928 = arith.addf %broadcast_in_dim3A_927, %add3A_861 : vector<16xf32>
      %sub3A_929 = arith.subf %broadcast_in_dim3A_5, %scan3A_15 : vector<16xf32>
      %sub3A_930 = arith.subf %add3A_928, %add3A_917 : vector<16xf32>
      %max3A_931 = arith.maximumf %broadcast_in_dim3A_3, %sub3A_930 : vector<16xf32>
      %sub3A_932 = arith.subf %broadcast_in_dim3A_5, %add3A_917 : vector<16xf32>
      %min3A_933 = arith.minimumf %sub3A_932, %sub3A_929 : vector<16xf32>
      %mul3A_934 = arith.mulf %sub3A_925, %max3A_931 : vector<16xf32>
      %mul3A_935 = arith.mulf %div3A_924, %min3A_933 : vector<16xf32>
      %add3A_936 = arith.addf %mul3A_934, %mul3A_935 : vector<16xf32>
      %add3A_937 = arith.addf %add3A_917, %add3A_936 : vector<16xf32>
      %add3A_938 = arith.addf %scan3A_15, %add3A_936 : vector<16xf32>
      %neg3A_939 = arith.constant 0.000000e+00 : f32
      %neg3A_940 = vector.broadcast %neg3A_939 : f32 to vector<16xf32>
      %neg3A_941 = arith.subf %neg3A_940, %select_n3A_805 : vector<16xf32>
      %exp3A_942 = math.exp %neg3A_941 : vector<16xf32>
      %add3A_943 = arith.addf %broadcast_in_dim3A_5, %exp3A_942 : vector<16xf32>
      %div3A_944 = arith.divf %broadcast_in_dim3A_5, %add3A_943 : vector<16xf32>
      %sub3A_945 = arith.subf %broadcast_in_dim3A_5, %div3A_944 : vector<16xf32>
      %broadcast_in_dim3A_946 = arith.constant -1.000000e+01 : f32
      %broadcast_in_dim3A_947 = vector.broadcast %broadcast_in_dim3A_946 : f32 to vector<16xf32>
      %add3A_948 = arith.addf %broadcast_in_dim3A_947, %add3A_860 : vector<16xf32>
      %sub3A_949 = arith.subf %broadcast_in_dim3A_5, %scan3A_16 : vector<16xf32>
      %sub3A_950 = arith.subf %add3A_948, %add3A_937 : vector<16xf32>
      %max3A_951 = arith.maximumf %broadcast_in_dim3A_3, %sub3A_950 : vector<16xf32>
      %sub3A_952 = arith.subf %broadcast_in_dim3A_5, %add3A_937 : vector<16xf32>
      %min3A_953 = arith.minimumf %sub3A_952, %sub3A_949 : vector<16xf32>
      %mul3A_954 = arith.mulf %sub3A_945, %max3A_951 : vector<16xf32>
      %mul3A_955 = arith.mulf %div3A_944, %min3A_953 : vector<16xf32>
      %add3A_956 = arith.addf %mul3A_954, %mul3A_955 : vector<16xf32>
      %add3A_957 = arith.addf %add3A_937, %add3A_956 : vector<16xf32>
      %add3A_958 = arith.addf %scan3A_16, %add3A_956 : vector<16xf32>
      %neg3A_959 = arith.constant 0.000000e+00 : f32
      %neg3A_960 = vector.broadcast %neg3A_959 : f32 to vector<16xf32>
      %neg3A_961 = arith.subf %neg3A_960, %select_n3A_809 : vector<16xf32>
      %exp3A_962 = math.exp %neg3A_961 : vector<16xf32>
      %add3A_963 = arith.addf %broadcast_in_dim3A_5, %exp3A_962 : vector<16xf32>
      %div3A_964 = arith.divf %broadcast_in_dim3A_5, %add3A_963 : vector<16xf32>
      %sub3A_965 = arith.subf %broadcast_in_dim3A_5, %div3A_964 : vector<16xf32>
      %broadcast_in_dim3A_966 = arith.constant -9.000000e+00 : f32
      %broadcast_in_dim3A_967 = vector.broadcast %broadcast_in_dim3A_966 : f32 to vector<16xf32>
      %add3A_968 = arith.addf %broadcast_in_dim3A_967, %add3A_859 : vector<16xf32>
      %sub3A_969 = arith.subf %broadcast_in_dim3A_5, %scan3A_17 : vector<16xf32>
      %sub3A_970 = arith.subf %add3A_968, %add3A_957 : vector<16xf32>
      %max3A_971 = arith.maximumf %broadcast_in_dim3A_3, %sub3A_970 : vector<16xf32>
      %sub3A_972 = arith.subf %broadcast_in_dim3A_5, %add3A_957 : vector<16xf32>
      %min3A_973 = arith.minimumf %sub3A_972, %sub3A_969 : vector<16xf32>
      %mul3A_974 = arith.mulf %sub3A_965, %max3A_971 : vector<16xf32>
      %mul3A_975 = arith.mulf %div3A_964, %min3A_973 : vector<16xf32>
      %add3A_976 = arith.addf %mul3A_974, %mul3A_975 : vector<16xf32>
      %add3A_977 = arith.addf %add3A_957, %add3A_976 : vector<16xf32>
      %add3A_978 = arith.addf %scan3A_17, %add3A_976 : vector<16xf32>
      %neg3A_979 = arith.constant 0.000000e+00 : f32
      %neg3A_980 = vector.broadcast %neg3A_979 : f32 to vector<16xf32>
      %neg3A_981 = arith.subf %neg3A_980, %select_n3A_813 : vector<16xf32>
      %exp3A_982 = math.exp %neg3A_981 : vector<16xf32>
      %add3A_983 = arith.addf %broadcast_in_dim3A_5, %exp3A_982 : vector<16xf32>
      %div3A_984 = arith.divf %broadcast_in_dim3A_5, %add3A_983 : vector<16xf32>
      %sub3A_985 = arith.subf %broadcast_in_dim3A_5, %div3A_984 : vector<16xf32>
      %broadcast_in_dim3A_986 = arith.constant -8.000000e+00 : f32
      %broadcast_in_dim3A_987 = vector.broadcast %broadcast_in_dim3A_986 : f32 to vector<16xf32>
      %add3A_988 = arith.addf %broadcast_in_dim3A_987, %add3A_858 : vector<16xf32>
      %sub3A_989 = arith.subf %broadcast_in_dim3A_5, %scan3A_18 : vector<16xf32>
      %sub3A_990 = arith.subf %add3A_988, %add3A_977 : vector<16xf32>
      %max3A_991 = arith.maximumf %broadcast_in_dim3A_3, %sub3A_990 : vector<16xf32>
      %sub3A_992 = arith.subf %broadcast_in_dim3A_5, %add3A_977 : vector<16xf32>
      %min3A_993 = arith.minimumf %sub3A_992, %sub3A_989 : vector<16xf32>
      %mul3A_994 = arith.mulf %sub3A_985, %max3A_991 : vector<16xf32>
      %mul3A_995 = arith.mulf %div3A_984, %min3A_993 : vector<16xf32>
      %add3A_996 = arith.addf %mul3A_994, %mul3A_995 : vector<16xf32>
      %add3A_997 = arith.addf %add3A_977, %add3A_996 : vector<16xf32>
      %add3A_998 = arith.addf %scan3A_18, %add3A_996 : vector<16xf32>
      %neg3A_999 = arith.constant 0.000000e+00 : f32
      %neg3A_1000 = vector.broadcast %neg3A_999 : f32 to vector<16xf32>
      %neg3A_1001 = arith.subf %neg3A_1000, %select_n3A_817 : vector<16xf32>
      %exp3A_1002 = math.exp %neg3A_1001 : vector<16xf32>
      %add3A_1003 = arith.addf %broadcast_in_dim3A_5, %exp3A_1002 : vector<16xf32>
      %div3A_1004 = arith.divf %broadcast_in_dim3A_5, %add3A_1003 : vector<16xf32>
      %sub3A_1005 = arith.subf %broadcast_in_dim3A_5, %div3A_1004 : vector<16xf32>
      %broadcast_in_dim3A_1006 = arith.constant -7.000000e+00 : f32
      %broadcast_in_dim3A_1007 = vector.broadcast %broadcast_in_dim3A_1006 : f32 to vector<16xf32>
      %add3A_1008 = arith.addf %broadcast_in_dim3A_1007, %add3A_857 : vector<16xf32>
      %sub3A_1009 = arith.subf %broadcast_in_dim3A_5, %scan3A_19 : vector<16xf32>
      %sub3A_1010 = arith.subf %add3A_1008, %add3A_997 : vector<16xf32>
      %max3A_1011 = arith.maximumf %broadcast_in_dim3A_3, %sub3A_1010 : vector<16xf32>
      %sub3A_1012 = arith.subf %broadcast_in_dim3A_5, %add3A_997 : vector<16xf32>
      %min3A_1013 = arith.minimumf %sub3A_1012, %sub3A_1009 : vector<16xf32>
      %mul3A_1014 = arith.mulf %sub3A_1005, %max3A_1011 : vector<16xf32>
      %mul3A_1015 = arith.mulf %div3A_1004, %min3A_1013 : vector<16xf32>
      %add3A_1016 = arith.addf %mul3A_1014, %mul3A_1015 : vector<16xf32>
      %add3A_1017 = arith.addf %add3A_997, %add3A_1016 : vector<16xf32>
      %add3A_1018 = arith.addf %scan3A_19, %add3A_1016 : vector<16xf32>
      %neg3A_1019 = arith.constant 0.000000e+00 : f32
      %neg3A_1020 = vector.broadcast %neg3A_1019 : f32 to vector<16xf32>
      %neg3A_1021 = arith.subf %neg3A_1020, %select_n3A_821 : vector<16xf32>
      %exp3A_1022 = math.exp %neg3A_1021 : vector<16xf32>
      %add3A_1023 = arith.addf %broadcast_in_dim3A_5, %exp3A_1022 : vector<16xf32>
      %div3A_1024 = arith.divf %broadcast_in_dim3A_5, %add3A_1023 : vector<16xf32>
      %sub3A_1025 = arith.subf %broadcast_in_dim3A_5, %div3A_1024 : vector<16xf32>
      %broadcast_in_dim3A_1026 = arith.constant -6.000000e+00 : f32
      %broadcast_in_dim3A_1027 = vector.broadcast %broadcast_in_dim3A_1026 : f32 to vector<16xf32>
      %add3A_1028 = arith.addf %broadcast_in_dim3A_1027, %add3A_856 : vector<16xf32>
      %sub3A_1029 = arith.subf %broadcast_in_dim3A_5, %scan3A_20 : vector<16xf32>
      %sub3A_1030 = arith.subf %add3A_1028, %add3A_1017 : vector<16xf32>
      %max3A_1031 = arith.maximumf %broadcast_in_dim3A_3, %sub3A_1030 : vector<16xf32>
      %sub3A_1032 = arith.subf %broadcast_in_dim3A_5, %add3A_1017 : vector<16xf32>
      %min3A_1033 = arith.minimumf %sub3A_1032, %sub3A_1029 : vector<16xf32>
      %mul3A_1034 = arith.mulf %sub3A_1025, %max3A_1031 : vector<16xf32>
      %mul3A_1035 = arith.mulf %div3A_1024, %min3A_1033 : vector<16xf32>
      %add3A_1036 = arith.addf %mul3A_1034, %mul3A_1035 : vector<16xf32>
      %add3A_1037 = arith.addf %add3A_1017, %add3A_1036 : vector<16xf32>
      %add3A_1038 = arith.addf %scan3A_20, %add3A_1036 : vector<16xf32>
      %neg3A_1039 = arith.constant 0.000000e+00 : f32
      %neg3A_1040 = vector.broadcast %neg3A_1039 : f32 to vector<16xf32>
      %neg3A_1041 = arith.subf %neg3A_1040, %select_n3A_825 : vector<16xf32>
      %exp3A_1042 = math.exp %neg3A_1041 : vector<16xf32>
      %add3A_1043 = arith.addf %broadcast_in_dim3A_5, %exp3A_1042 : vector<16xf32>
      %div3A_1044 = arith.divf %broadcast_in_dim3A_5, %add3A_1043 : vector<16xf32>
      %sub3A_1045 = arith.subf %broadcast_in_dim3A_5, %div3A_1044 : vector<16xf32>
      %broadcast_in_dim3A_1046 = arith.constant -5.000000e+00 : f32
      %broadcast_in_dim3A_1047 = vector.broadcast %broadcast_in_dim3A_1046 : f32 to vector<16xf32>
      %add3A_1048 = arith.addf %broadcast_in_dim3A_1047, %add3A_855 : vector<16xf32>
      %sub3A_1049 = arith.subf %broadcast_in_dim3A_5, %scan3A_21 : vector<16xf32>
      %sub3A_1050 = arith.subf %add3A_1048, %add3A_1037 : vector<16xf32>
      %max3A_1051 = arith.maximumf %broadcast_in_dim3A_3, %sub3A_1050 : vector<16xf32>
      %sub3A_1052 = arith.subf %broadcast_in_dim3A_5, %add3A_1037 : vector<16xf32>
      %min3A_1053 = arith.minimumf %sub3A_1052, %sub3A_1049 : vector<16xf32>
      %mul3A_1054 = arith.mulf %sub3A_1045, %max3A_1051 : vector<16xf32>
      %mul3A_1055 = arith.mulf %div3A_1044, %min3A_1053 : vector<16xf32>
      %add3A_1056 = arith.addf %mul3A_1054, %mul3A_1055 : vector<16xf32>
      %add3A_1057 = arith.addf %add3A_1037, %add3A_1056 : vector<16xf32>
      %add3A_1058 = arith.addf %scan3A_21, %add3A_1056 : vector<16xf32>
      %neg3A_1059 = arith.constant 0.000000e+00 : f32
      %neg3A_1060 = vector.broadcast %neg3A_1059 : f32 to vector<16xf32>
      %neg3A_1061 = arith.subf %neg3A_1060, %select_n3A_829 : vector<16xf32>
      %exp3A_1062 = math.exp %neg3A_1061 : vector<16xf32>
      %add3A_1063 = arith.addf %broadcast_in_dim3A_5, %exp3A_1062 : vector<16xf32>
      %div3A_1064 = arith.divf %broadcast_in_dim3A_5, %add3A_1063 : vector<16xf32>
      %sub3A_1065 = arith.subf %broadcast_in_dim3A_5, %div3A_1064 : vector<16xf32>
      %broadcast_in_dim3A_1066 = arith.constant -4.000000e+00 : f32
      %broadcast_in_dim3A_1067 = vector.broadcast %broadcast_in_dim3A_1066 : f32 to vector<16xf32>
      %add3A_1068 = arith.addf %broadcast_in_dim3A_1067, %add3A_854 : vector<16xf32>
      %sub3A_1069 = arith.subf %broadcast_in_dim3A_5, %scan3A_22 : vector<16xf32>
      %sub3A_1070 = arith.subf %add3A_1068, %add3A_1057 : vector<16xf32>
      %max3A_1071 = arith.maximumf %broadcast_in_dim3A_3, %sub3A_1070 : vector<16xf32>
      %sub3A_1072 = arith.subf %broadcast_in_dim3A_5, %add3A_1057 : vector<16xf32>
      %min3A_1073 = arith.minimumf %sub3A_1072, %sub3A_1069 : vector<16xf32>
      %mul3A_1074 = arith.mulf %sub3A_1065, %max3A_1071 : vector<16xf32>
      %mul3A_1075 = arith.mulf %div3A_1064, %min3A_1073 : vector<16xf32>
      %add3A_1076 = arith.addf %mul3A_1074, %mul3A_1075 : vector<16xf32>
      %add3A_1077 = arith.addf %add3A_1057, %add3A_1076 : vector<16xf32>
      %add3A_1078 = arith.addf %scan3A_22, %add3A_1076 : vector<16xf32>
      %neg3A_1079 = arith.constant 0.000000e+00 : f32
      %neg3A_1080 = vector.broadcast %neg3A_1079 : f32 to vector<16xf32>
      %neg3A_1081 = arith.subf %neg3A_1080, %select_n3A_833 : vector<16xf32>
      %exp3A_1082 = math.exp %neg3A_1081 : vector<16xf32>
      %add3A_1083 = arith.addf %broadcast_in_dim3A_5, %exp3A_1082 : vector<16xf32>
      %div3A_1084 = arith.divf %broadcast_in_dim3A_5, %add3A_1083 : vector<16xf32>
      %sub3A_1085 = arith.subf %broadcast_in_dim3A_5, %div3A_1084 : vector<16xf32>
      %broadcast_in_dim3A_1086 = arith.constant -3.000000e+00 : f32
      %broadcast_in_dim3A_1087 = vector.broadcast %broadcast_in_dim3A_1086 : f32 to vector<16xf32>
      %add3A_1088 = arith.addf %broadcast_in_dim3A_1087, %add3A_853 : vector<16xf32>
      %sub3A_1089 = arith.subf %broadcast_in_dim3A_5, %scan3A_23 : vector<16xf32>
      %sub3A_1090 = arith.subf %add3A_1088, %add3A_1077 : vector<16xf32>
      %max3A_1091 = arith.maximumf %broadcast_in_dim3A_3, %sub3A_1090 : vector<16xf32>
      %sub3A_1092 = arith.subf %broadcast_in_dim3A_5, %add3A_1077 : vector<16xf32>
      %min3A_1093 = arith.minimumf %sub3A_1092, %sub3A_1089 : vector<16xf32>
      %mul3A_1094 = arith.mulf %sub3A_1085, %max3A_1091 : vector<16xf32>
      %mul3A_1095 = arith.mulf %div3A_1084, %min3A_1093 : vector<16xf32>
      %add3A_1096 = arith.addf %mul3A_1094, %mul3A_1095 : vector<16xf32>
      %add3A_1097 = arith.addf %add3A_1077, %add3A_1096 : vector<16xf32>
      %add3A_1098 = arith.addf %scan3A_23, %add3A_1096 : vector<16xf32>
      %neg3A_1099 = arith.constant 0.000000e+00 : f32
      %neg3A_1100 = vector.broadcast %neg3A_1099 : f32 to vector<16xf32>
      %neg3A_1101 = arith.subf %neg3A_1100, %select_n3A_837 : vector<16xf32>
      %exp3A_1102 = math.exp %neg3A_1101 : vector<16xf32>
      %add3A_1103 = arith.addf %broadcast_in_dim3A_5, %exp3A_1102 : vector<16xf32>
      %div3A_1104 = arith.divf %broadcast_in_dim3A_5, %add3A_1103 : vector<16xf32>
      %sub3A_1105 = arith.subf %broadcast_in_dim3A_5, %div3A_1104 : vector<16xf32>
      %broadcast_in_dim3A_1106 = arith.constant -2.000000e+00 : f32
      %broadcast_in_dim3A_1107 = vector.broadcast %broadcast_in_dim3A_1106 : f32 to vector<16xf32>
      %add3A_1108 = arith.addf %broadcast_in_dim3A_1107, %add3A_852 : vector<16xf32>
      %sub3A_1109 = arith.subf %broadcast_in_dim3A_5, %scan3A_24 : vector<16xf32>
      %sub3A_1110 = arith.subf %add3A_1108, %add3A_1097 : vector<16xf32>
      %max3A_1111 = arith.maximumf %broadcast_in_dim3A_3, %sub3A_1110 : vector<16xf32>
      %sub3A_1112 = arith.subf %broadcast_in_dim3A_5, %add3A_1097 : vector<16xf32>
      %min3A_1113 = arith.minimumf %sub3A_1112, %sub3A_1109 : vector<16xf32>
      %mul3A_1114 = arith.mulf %sub3A_1105, %max3A_1111 : vector<16xf32>
      %mul3A_1115 = arith.mulf %div3A_1104, %min3A_1113 : vector<16xf32>
      %add3A_1116 = arith.addf %mul3A_1114, %mul3A_1115 : vector<16xf32>
      %add3A_1117 = arith.addf %add3A_1097, %add3A_1116 : vector<16xf32>
      %add3A_1118 = arith.addf %scan3A_24, %add3A_1116 : vector<16xf32>
      %neg3A_1119 = arith.constant 0.000000e+00 : f32
      %neg3A_1120 = vector.broadcast %neg3A_1119 : f32 to vector<16xf32>
      %neg3A_1121 = arith.subf %neg3A_1120, %select_n3A_841 : vector<16xf32>
      %exp3A_1122 = math.exp %neg3A_1121 : vector<16xf32>
      %add3A_1123 = arith.addf %broadcast_in_dim3A_5, %exp3A_1122 : vector<16xf32>
      %div3A_1124 = arith.divf %broadcast_in_dim3A_5, %add3A_1123 : vector<16xf32>
      %sub3A_1125 = arith.subf %broadcast_in_dim3A_5, %div3A_1124 : vector<16xf32>
      %broadcast_in_dim3A_1126 = arith.constant -1.000000e+00 : f32
      %broadcast_in_dim3A_1127 = vector.broadcast %broadcast_in_dim3A_1126 : f32 to vector<16xf32>
      %add3A_1128 = arith.addf %broadcast_in_dim3A_1127, %add3A_851 : vector<16xf32>
      %sub3A_1129 = arith.subf %broadcast_in_dim3A_5, %scan3A_25 : vector<16xf32>
      %sub3A_1130 = arith.subf %add3A_1128, %add3A_1117 : vector<16xf32>
      %max3A_1131 = arith.maximumf %broadcast_in_dim3A_3, %sub3A_1130 : vector<16xf32>
      %sub3A_1132 = arith.subf %broadcast_in_dim3A_5, %add3A_1117 : vector<16xf32>
      %min3A_1133 = arith.minimumf %sub3A_1132, %sub3A_1129 : vector<16xf32>
      %mul3A_1134 = arith.mulf %sub3A_1125, %max3A_1131 : vector<16xf32>
      %mul3A_1135 = arith.mulf %div3A_1124, %min3A_1133 : vector<16xf32>
      %add3A_1136 = arith.addf %mul3A_1134, %mul3A_1135 : vector<16xf32>
      %add3A_1137 = arith.addf %add3A_1117, %add3A_1136 : vector<16xf32>
      %add3A_1138 = arith.addf %scan3A_25, %add3A_1136 : vector<16xf32>
      %neg3A_1139 = arith.constant 0.000000e+00 : f32
      %neg3A_1140 = vector.broadcast %neg3A_1139 : f32 to vector<16xf32>
      %neg3A_1141 = arith.subf %neg3A_1140, %select_n3A_845 : vector<16xf32>
      %exp3A_1142 = math.exp %neg3A_1141 : vector<16xf32>
      %add3A_1143 = arith.addf %broadcast_in_dim3A_5, %exp3A_1142 : vector<16xf32>
      %div3A_1144 = arith.divf %broadcast_in_dim3A_5, %add3A_1143 : vector<16xf32>
      %sub3A_1145 = arith.subf %broadcast_in_dim3A_5, %div3A_1144 : vector<16xf32>
      %broadcast_in_dim3A_1146 = arith.constant 0.000000e+00 : f32
      %broadcast_in_dim3A_1147 = vector.broadcast %broadcast_in_dim3A_1146 : f32 to vector<16xf32>
      %add3A_1148 = arith.addf %broadcast_in_dim3A_1147, %add3A_850 : vector<16xf32>
      %sub3A_1149 = arith.subf %broadcast_in_dim3A_5, %scan3A_26 : vector<16xf32>
      %sub3A_1150 = arith.subf %add3A_1148, %add3A_1137 : vector<16xf32>
      %max3A_1151 = arith.maximumf %broadcast_in_dim3A_3, %sub3A_1150 : vector<16xf32>
      %sub3A_1152 = arith.subf %broadcast_in_dim3A_5, %add3A_1137 : vector<16xf32>
      %min3A_1153 = arith.minimumf %sub3A_1152, %sub3A_1149 : vector<16xf32>
      %mul3A_1154 = arith.mulf %sub3A_1145, %max3A_1151 : vector<16xf32>
      %mul3A_1155 = arith.mulf %div3A_1144, %min3A_1153 : vector<16xf32>
      %add3A_1156 = arith.addf %mul3A_1154, %mul3A_1155 : vector<16xf32>
      %add3A_1157 = arith.addf %add3A_1137, %add3A_1156 : vector<16xf32>
      %add3A_1158 = arith.addf %scan3A_26, %add3A_1156 : vector<16xf32>
      %neg3A_1159 = arith.constant 0.000000e+00 : f32
      %neg3A_1160 = vector.broadcast %neg3A_1159 : f32 to vector<16xf32>
      %neg3A_1161 = arith.subf %neg3A_1160, %select_n3A_849 : vector<16xf32>
      %exp3A_1162 = math.exp %neg3A_1161 : vector<16xf32>
      %add3A_1163 = arith.addf %broadcast_in_dim3A_5, %exp3A_1162 : vector<16xf32>
      %div3A_1164 = arith.divf %broadcast_in_dim3A_5, %add3A_1163 : vector<16xf32>
      %sub3A_1165 = arith.subf %broadcast_in_dim3A_5, %div3A_1164 : vector<16xf32>
      %broadcast_in_dim3A_1166 = arith.constant 1.000000e+00 : f32
      %broadcast_in_dim3A_1167 = vector.broadcast %broadcast_in_dim3A_1166 : f32 to vector<16xf32>
      %add3A_1168 = arith.addf %broadcast_in_dim3A_1167, %broadcast_in_dim3A_3 : vector<16xf32>
      %sub3A_1169 = arith.subf %broadcast_in_dim3A_5, %scan3A_27 : vector<16xf32>
      %sub3A_1170 = arith.subf %add3A_1168, %add3A_1157 : vector<16xf32>
      %max3A_1171 = arith.maximumf %broadcast_in_dim3A_3, %sub3A_1170 : vector<16xf32>
      %sub3A_1172 = arith.subf %broadcast_in_dim3A_5, %add3A_1157 : vector<16xf32>
      %min3A_1173 = arith.minimumf %sub3A_1172, %sub3A_1169 : vector<16xf32>
      %mul3A_1174 = arith.mulf %sub3A_1165, %max3A_1171 : vector<16xf32>
      %mul3A_1175 = arith.mulf %div3A_1164, %min3A_1173 : vector<16xf32>
      %add3A_1176 = arith.addf %mul3A_1174, %mul3A_1175 : vector<16xf32>
      %add3A_1177 = arith.addf %add3A_1157, %add3A_1176 : vector<16xf32>
      %add3A_1178 = arith.addf %scan3A_27, %add3A_1176 : vector<16xf32>
      %iota3A_1179 = tpu.iota {dimensions = array<i32: 0>} : vector<16xi32>
      %xor3A_1180 = arith.constant 1 : i32
      %xor3A_1181 = vector.broadcast %xor3A_1180 : i32 to vector<16xi32>
      %xor3A_1182 = arith.xori %iota3A_1179, %xor3A_1181 : vector<16xi32>
      %iota3A_1183 = tpu.iota {dimensions = array<i32: 0>} : vector<16xi32>
      %and3A_1184 = arith.constant 1 : i32
      %and3A_1185 = vector.broadcast %and3A_1184 : i32 to vector<16xi32>
      %and3A_1186 = arith.andi %iota3A_1183, %and3A_1185 : vector<16xi32>
      %eq3A_1187 = arith.constant 0 : i32
      %eq3A_1188 = vector.broadcast %eq3A_1187 : i32 to vector<16xi32>
      %eq3A_1189 = arith.cmpi eq, %and3A_1186, %eq3A_1188 : vector<16xi32>
      %iota3A_1190 = tpu.iota {dimensions = array<i32: 0>} : vector<16xi32>
      %and3A_1191 = arith.constant 1 : i32
      %and3A_1192 = vector.broadcast %and3A_1191 : i32 to vector<16xi32>
      %and3A_1193 = arith.andi %iota3A_1190, %and3A_1192 : vector<16xi32>
      %eq3A_1194 = arith.constant 1 : i32
      %eq3A_1195 = vector.broadcast %eq3A_1194 : i32 to vector<16xi32>
      %eq3A_1196 = arith.cmpi eq, %and3A_1193, %eq3A_1195 : vector<16xi32>
      %iota3A_1197 = tpu.iota {dimensions = array<i32: 0>} : vector<16xi32>
      %and3A_1198 = arith.constant 1 : i32
      %and3A_1199 = vector.broadcast %and3A_1198 : i32 to vector<16xi32>
      %and3A_1200 = arith.andi %iota3A_1197, %and3A_1199 : vector<16xi32>
      %eq3A_1201 = arith.constant 0 : i32
      %eq3A_1202 = vector.broadcast %eq3A_1201 : i32 to vector<16xi32>
      %eq3A_1203 = arith.cmpi eq, %and3A_1200, %eq3A_1202 : vector<16xi32>
      %iota3A_1204 = tpu.iota {dimensions = array<i32: 0>} : vector<16xi32>
      %and3A_1205 = arith.constant 1 : i32
      %and3A_1206 = vector.broadcast %and3A_1205 : i32 to vector<16xi32>
      %and3A_1207 = arith.andi %iota3A_1204, %and3A_1206 : vector<16xi32>
      %eq3A_1208 = arith.constant 1 : i32
      %eq3A_1209 = vector.broadcast %eq3A_1208 : i32 to vector<16xi32>
      %eq3A_1210 = arith.cmpi eq, %and3A_1207, %eq3A_1209 : vector<16xi32>
      %iota3A_1211 = tpu.iota {dimensions = array<i32: 0>} : vector<16xi32>
      %and3A_1212 = arith.constant 1 : i32
      %and3A_1213 = vector.broadcast %and3A_1212 : i32 to vector<16xi32>
      %and3A_1214 = arith.andi %iota3A_1211, %and3A_1213 : vector<16xi32>
      %eq3A_1215 = arith.constant 0 : i32
      %eq3A_1216 = vector.broadcast %eq3A_1215 : i32 to vector<16xi32>
      %eq3A_1217 = arith.cmpi eq, %and3A_1214, %eq3A_1216 : vector<16xi32>
      %iota3A_1218 = tpu.iota {dimensions = array<i32: 0>} : vector<16xi32>
      %and3A_1219 = arith.constant 1 : i32
      %and3A_1220 = vector.broadcast %and3A_1219 : i32 to vector<16xi32>
      %and3A_1221 = arith.andi %iota3A_1218, %and3A_1220 : vector<16xi32>
      %eq3A_1222 = arith.constant 1 : i32
      %eq3A_1223 = vector.broadcast %eq3A_1222 : i32 to vector<16xi32>
      %eq3A_1224 = arith.cmpi eq, %and3A_1221, %eq3A_1223 : vector<16xi32>
      %iota3A_1225 = tpu.iota {dimensions = array<i32: 0>} : vector<16xi32>
      %and3A_1226 = arith.constant 1 : i32
      %and3A_1227 = vector.broadcast %and3A_1226 : i32 to vector<16xi32>
      %and3A_1228 = arith.andi %iota3A_1225, %and3A_1227 : vector<16xi32>
      %eq3A_1229 = arith.constant 0 : i32
      %eq3A_1230 = vector.broadcast %eq3A_1229 : i32 to vector<16xi32>
      %eq3A_1231 = arith.cmpi eq, %and3A_1228, %eq3A_1230 : vector<16xi32>
      %iota3A_1232 = tpu.iota {dimensions = array<i32: 0>} : vector<16xi32>
      %and3A_1233 = arith.constant 1 : i32
      %and3A_1234 = vector.broadcast %and3A_1233 : i32 to vector<16xi32>
      %and3A_1235 = arith.andi %iota3A_1232, %and3A_1234 : vector<16xi32>
      %eq3A_1236 = arith.constant 1 : i32
      %eq3A_1237 = vector.broadcast %eq3A_1236 : i32 to vector<16xi32>
      %eq3A_1238 = arith.cmpi eq, %and3A_1235, %eq3A_1237 : vector<16xi32>
      %iota3A_1239 = tpu.iota {dimensions = array<i32: 0>} : vector<16xi32>
      %and3A_1240 = arith.constant 1 : i32
      %and3A_1241 = vector.broadcast %and3A_1240 : i32 to vector<16xi32>
      %and3A_1242 = arith.andi %iota3A_1239, %and3A_1241 : vector<16xi32>
      %eq3A_1243 = arith.constant 0 : i32
      %eq3A_1244 = vector.broadcast %eq3A_1243 : i32 to vector<16xi32>
      %eq3A_1245 = arith.cmpi eq, %and3A_1242, %eq3A_1244 : vector<16xi32>
      %iota3A_1246 = tpu.iota {dimensions = array<i32: 0>} : vector<16xi32>
      %and3A_1247 = arith.constant 1 : i32
      %and3A_1248 = vector.broadcast %and3A_1247 : i32 to vector<16xi32>
      %and3A_1249 = arith.andi %iota3A_1246, %and3A_1248 : vector<16xi32>
      %eq3A_1250 = arith.constant 1 : i32
      %eq3A_1251 = vector.broadcast %eq3A_1250 : i32 to vector<16xi32>
      %eq3A_1252 = arith.cmpi eq, %and3A_1249, %eq3A_1251 : vector<16xi32>
      %iota3A_1253 = tpu.iota {dimensions = array<i32: 0>} : vector<16xi32>
      %and3A_1254 = arith.constant 1 : i32
      %and3A_1255 = vector.broadcast %and3A_1254 : i32 to vector<16xi32>
      %and3A_1256 = arith.andi %iota3A_1253, %and3A_1255 : vector<16xi32>
      %eq3A_1257 = arith.constant 0 : i32
      %eq3A_1258 = vector.broadcast %eq3A_1257 : i32 to vector<16xi32>
      %eq3A_1259 = arith.cmpi eq, %and3A_1256, %eq3A_1258 : vector<16xi32>
      %iota3A_1260 = tpu.iota {dimensions = array<i32: 0>} : vector<16xi32>
      %and3A_1261 = arith.constant 1 : i32
      %and3A_1262 = vector.broadcast %and3A_1261 : i32 to vector<16xi32>
      %and3A_1263 = arith.andi %iota3A_1260, %and3A_1262 : vector<16xi32>
      %eq3A_1264 = arith.constant 1 : i32
      %eq3A_1265 = vector.broadcast %eq3A_1264 : i32 to vector<16xi32>
      %eq3A_1266 = arith.cmpi eq, %and3A_1263, %eq3A_1265 : vector<16xi32>
      %iota3A_1267 = tpu.iota {dimensions = array<i32: 0>} : vector<16xi32>
      %and3A_1268 = arith.constant 1 : i32
      %and3A_1269 = vector.broadcast %and3A_1268 : i32 to vector<16xi32>
      %and3A_1270 = arith.andi %iota3A_1267, %and3A_1269 : vector<16xi32>
      %eq3A_1271 = arith.constant 0 : i32
      %eq3A_1272 = vector.broadcast %eq3A_1271 : i32 to vector<16xi32>
      %eq3A_1273 = arith.cmpi eq, %and3A_1270, %eq3A_1272 : vector<16xi32>
      %iota3A_1274 = tpu.iota {dimensions = array<i32: 0>} : vector<16xi32>
      %and3A_1275 = arith.constant 1 : i32
      %and3A_1276 = vector.broadcast %and3A_1275 : i32 to vector<16xi32>
      %and3A_1277 = arith.andi %iota3A_1274, %and3A_1276 : vector<16xi32>
      %eq3A_1278 = arith.constant 1 : i32
      %eq3A_1279 = vector.broadcast %eq3A_1278 : i32 to vector<16xi32>
      %eq3A_1280 = arith.cmpi eq, %and3A_1277, %eq3A_1279 : vector<16xi32>
      %iota3A_1281 = tpu.iota {dimensions = array<i32: 0>} : vector<16xi32>
      %and3A_1282 = arith.constant 1 : i32
      %and3A_1283 = vector.broadcast %and3A_1282 : i32 to vector<16xi32>
      %and3A_1284 = arith.andi %iota3A_1281, %and3A_1283 : vector<16xi32>
      %eq3A_1285 = arith.constant 0 : i32
      %eq3A_1286 = vector.broadcast %eq3A_1285 : i32 to vector<16xi32>
      %eq3A_1287 = arith.cmpi eq, %and3A_1284, %eq3A_1286 : vector<16xi32>
      %iota3A_1288 = tpu.iota {dimensions = array<i32: 0>} : vector<16xi32>
      %and3A_1289 = arith.constant 1 : i32
      %and3A_1290 = vector.broadcast %and3A_1289 : i32 to vector<16xi32>
      %and3A_1291 = arith.andi %iota3A_1288, %and3A_1290 : vector<16xi32>
      %eq3A_1292 = arith.constant 1 : i32
      %eq3A_1293 = vector.broadcast %eq3A_1292 : i32 to vector<16xi32>
      %eq3A_1294 = arith.cmpi eq, %and3A_1291, %eq3A_1293 : vector<16xi32>
      %broadcast_in_dim3A_1295 = vector.shape_cast %xor3A_1182 : vector<16xi32> to vector<16x1xi32>
      %gather3A_1296 = vector.shape_cast %broadcast_in_dim3A_1295 : vector<16x1xi32> to vector<16xi32>
      %gather3A_1297 = tpu.dynamic_gather %add3A_896[%gather3A_1296] in [0] : vector<16xf32>, vector<16xi32> -> vector<16xf32>
      %select_n3A_1298 = arith.select %eq3A_1189, %add3A_876, %gather3A_1297 : vector<16xi1>, vector<16xf32>
      %broadcast_in_dim3A_1299 = vector.shape_cast %xor3A_1182 : vector<16xi32> to vector<16x1xi32>
      %gather3A_1300 = vector.shape_cast %broadcast_in_dim3A_1299 : vector<16x1xi32> to vector<16xi32>
      %gather3A_1301 = tpu.dynamic_gather %add3A_876[%gather3A_1300] in [0] : vector<16xf32>, vector<16xi32> -> vector<16xf32>
      %select_n3A_1302 = arith.select %eq3A_1196, %add3A_896, %gather3A_1301 : vector<16xi1>, vector<16xf32>
      %broadcast_in_dim3A_1303 = vector.shape_cast %xor3A_1182 : vector<16xi32> to vector<16x1xi32>
      %gather3A_1304 = vector.shape_cast %broadcast_in_dim3A_1303 : vector<16x1xi32> to vector<16xi32>
      %gather3A_1305 = tpu.dynamic_gather %add3A_936[%gather3A_1304] in [0] : vector<16xf32>, vector<16xi32> -> vector<16xf32>
      %select_n3A_1306 = arith.select %eq3A_1203, %add3A_916, %gather3A_1305 : vector<16xi1>, vector<16xf32>
      %broadcast_in_dim3A_1307 = vector.shape_cast %xor3A_1182 : vector<16xi32> to vector<16x1xi32>
      %gather3A_1308 = vector.shape_cast %broadcast_in_dim3A_1307 : vector<16x1xi32> to vector<16xi32>
      %gather3A_1309 = tpu.dynamic_gather %add3A_916[%gather3A_1308] in [0] : vector<16xf32>, vector<16xi32> -> vector<16xf32>
      %select_n3A_1310 = arith.select %eq3A_1210, %add3A_936, %gather3A_1309 : vector<16xi1>, vector<16xf32>
      %broadcast_in_dim3A_1311 = vector.shape_cast %xor3A_1182 : vector<16xi32> to vector<16x1xi32>
      %gather3A_1312 = vector.shape_cast %broadcast_in_dim3A_1311 : vector<16x1xi32> to vector<16xi32>
      %gather3A_1313 = tpu.dynamic_gather %add3A_976[%gather3A_1312] in [0] : vector<16xf32>, vector<16xi32> -> vector<16xf32>
      %select_n3A_1314 = arith.select %eq3A_1217, %add3A_956, %gather3A_1313 : vector<16xi1>, vector<16xf32>
      %broadcast_in_dim3A_1315 = vector.shape_cast %xor3A_1182 : vector<16xi32> to vector<16x1xi32>
      %gather3A_1316 = vector.shape_cast %broadcast_in_dim3A_1315 : vector<16x1xi32> to vector<16xi32>
      %gather3A_1317 = tpu.dynamic_gather %add3A_956[%gather3A_1316] in [0] : vector<16xf32>, vector<16xi32> -> vector<16xf32>
      %select_n3A_1318 = arith.select %eq3A_1224, %add3A_976, %gather3A_1317 : vector<16xi1>, vector<16xf32>
      %broadcast_in_dim3A_1319 = vector.shape_cast %xor3A_1182 : vector<16xi32> to vector<16x1xi32>
      %gather3A_1320 = vector.shape_cast %broadcast_in_dim3A_1319 : vector<16x1xi32> to vector<16xi32>
      %gather3A_1321 = tpu.dynamic_gather %add3A_1016[%gather3A_1320] in [0] : vector<16xf32>, vector<16xi32> -> vector<16xf32>
      %select_n3A_1322 = arith.select %eq3A_1231, %add3A_996, %gather3A_1321 : vector<16xi1>, vector<16xf32>
      %broadcast_in_dim3A_1323 = vector.shape_cast %xor3A_1182 : vector<16xi32> to vector<16x1xi32>
      %gather3A_1324 = vector.shape_cast %broadcast_in_dim3A_1323 : vector<16x1xi32> to vector<16xi32>
      %gather3A_1325 = tpu.dynamic_gather %add3A_996[%gather3A_1324] in [0] : vector<16xf32>, vector<16xi32> -> vector<16xf32>
      %select_n3A_1326 = arith.select %eq3A_1238, %add3A_1016, %gather3A_1325 : vector<16xi1>, vector<16xf32>
      %broadcast_in_dim3A_1327 = vector.shape_cast %xor3A_1182 : vector<16xi32> to vector<16x1xi32>
      %gather3A_1328 = vector.shape_cast %broadcast_in_dim3A_1327 : vector<16x1xi32> to vector<16xi32>
      %gather3A_1329 = tpu.dynamic_gather %add3A_1056[%gather3A_1328] in [0] : vector<16xf32>, vector<16xi32> -> vector<16xf32>
      %select_n3A_1330 = arith.select %eq3A_1245, %add3A_1036, %gather3A_1329 : vector<16xi1>, vector<16xf32>
      %broadcast_in_dim3A_1331 = vector.shape_cast %xor3A_1182 : vector<16xi32> to vector<16x1xi32>
      %gather3A_1332 = vector.shape_cast %broadcast_in_dim3A_1331 : vector<16x1xi32> to vector<16xi32>
      %gather3A_1333 = tpu.dynamic_gather %add3A_1036[%gather3A_1332] in [0] : vector<16xf32>, vector<16xi32> -> vector<16xf32>
      %select_n3A_1334 = arith.select %eq3A_1252, %add3A_1056, %gather3A_1333 : vector<16xi1>, vector<16xf32>
      %broadcast_in_dim3A_1335 = vector.shape_cast %xor3A_1182 : vector<16xi32> to vector<16x1xi32>
      %gather3A_1336 = vector.shape_cast %broadcast_in_dim3A_1335 : vector<16x1xi32> to vector<16xi32>
      %gather3A_1337 = tpu.dynamic_gather %add3A_1096[%gather3A_1336] in [0] : vector<16xf32>, vector<16xi32> -> vector<16xf32>
      %select_n3A_1338 = arith.select %eq3A_1259, %add3A_1076, %gather3A_1337 : vector<16xi1>, vector<16xf32>
      %broadcast_in_dim3A_1339 = vector.shape_cast %xor3A_1182 : vector<16xi32> to vector<16x1xi32>
      %gather3A_1340 = vector.shape_cast %broadcast_in_dim3A_1339 : vector<16x1xi32> to vector<16xi32>
      %gather3A_1341 = tpu.dynamic_gather %add3A_1076[%gather3A_1340] in [0] : vector<16xf32>, vector<16xi32> -> vector<16xf32>
      %select_n3A_1342 = arith.select %eq3A_1266, %add3A_1096, %gather3A_1341 : vector<16xi1>, vector<16xf32>
      %broadcast_in_dim3A_1343 = vector.shape_cast %xor3A_1182 : vector<16xi32> to vector<16x1xi32>
      %gather3A_1344 = vector.shape_cast %broadcast_in_dim3A_1343 : vector<16x1xi32> to vector<16xi32>
      %gather3A_1345 = tpu.dynamic_gather %add3A_1136[%gather3A_1344] in [0] : vector<16xf32>, vector<16xi32> -> vector<16xf32>
      %select_n3A_1346 = arith.select %eq3A_1273, %add3A_1116, %gather3A_1345 : vector<16xi1>, vector<16xf32>
      %broadcast_in_dim3A_1347 = vector.shape_cast %xor3A_1182 : vector<16xi32> to vector<16x1xi32>
      %gather3A_1348 = vector.shape_cast %broadcast_in_dim3A_1347 : vector<16x1xi32> to vector<16xi32>
      %gather3A_1349 = tpu.dynamic_gather %add3A_1116[%gather3A_1348] in [0] : vector<16xf32>, vector<16xi32> -> vector<16xf32>
      %select_n3A_1350 = arith.select %eq3A_1280, %add3A_1136, %gather3A_1349 : vector<16xi1>, vector<16xf32>
      %broadcast_in_dim3A_1351 = vector.shape_cast %xor3A_1182 : vector<16xi32> to vector<16x1xi32>
      %gather3A_1352 = vector.shape_cast %broadcast_in_dim3A_1351 : vector<16x1xi32> to vector<16xi32>
      %gather3A_1353 = tpu.dynamic_gather %add3A_1176[%gather3A_1352] in [0] : vector<16xf32>, vector<16xi32> -> vector<16xf32>
      %select_n3A_1354 = arith.select %eq3A_1287, %add3A_1156, %gather3A_1353 : vector<16xi1>, vector<16xf32>
      %broadcast_in_dim3A_1355 = vector.shape_cast %xor3A_1182 : vector<16xi32> to vector<16x1xi32>
      %gather3A_1356 = vector.shape_cast %broadcast_in_dim3A_1355 : vector<16x1xi32> to vector<16xi32>
      %gather3A_1357 = tpu.dynamic_gather %add3A_1156[%gather3A_1356] in [0] : vector<16xf32>, vector<16xi32> -> vector<16xf32>
      %select_n3A_1358 = arith.select %eq3A_1294, %add3A_1176, %gather3A_1357 : vector<16xi1>, vector<16xf32>
      %xor3A_1359 = arith.constant 2 : i32
      %xor3A_1360 = vector.broadcast %xor3A_1359 : i32 to vector<16xi32>
      %xor3A_1361 = arith.xori %iota3A_1179, %xor3A_1360 : vector<16xi32>
      %iota3A_1362 = tpu.iota {dimensions = array<i32: 0>} : vector<16xi32>
      %and3A_1363 = arith.constant 2 : i32
      %and3A_1364 = vector.broadcast %and3A_1363 : i32 to vector<16xi32>
      %and3A_1365 = arith.andi %iota3A_1362, %and3A_1364 : vector<16xi32>
      %eq3A_1366 = arith.constant 0 : i32
      %eq3A_1367 = vector.broadcast %eq3A_1366 : i32 to vector<16xi32>
      %eq3A_1368 = arith.cmpi eq, %and3A_1365, %eq3A_1367 : vector<16xi32>
      %iota3A_1369 = tpu.iota {dimensions = array<i32: 0>} : vector<16xi32>
      %and3A_1370 = arith.constant 2 : i32
      %and3A_1371 = vector.broadcast %and3A_1370 : i32 to vector<16xi32>
      %and3A_1372 = arith.andi %iota3A_1369, %and3A_1371 : vector<16xi32>
      %eq3A_1373 = arith.constant 0 : i32
      %eq3A_1374 = vector.broadcast %eq3A_1373 : i32 to vector<16xi32>
      %eq3A_1375 = arith.cmpi eq, %and3A_1372, %eq3A_1374 : vector<16xi32>
      %iota3A_1376 = tpu.iota {dimensions = array<i32: 0>} : vector<16xi32>
      %and3A_1377 = arith.constant 2 : i32
      %and3A_1378 = vector.broadcast %and3A_1377 : i32 to vector<16xi32>
      %and3A_1379 = arith.andi %iota3A_1376, %and3A_1378 : vector<16xi32>
      %eq3A_1380 = arith.constant 2 : i32
      %eq3A_1381 = vector.broadcast %eq3A_1380 : i32 to vector<16xi32>
      %eq3A_1382 = arith.cmpi eq, %and3A_1379, %eq3A_1381 : vector<16xi32>
      %iota3A_1383 = tpu.iota {dimensions = array<i32: 0>} : vector<16xi32>
      %and3A_1384 = arith.constant 2 : i32
      %and3A_1385 = vector.broadcast %and3A_1384 : i32 to vector<16xi32>
      %and3A_1386 = arith.andi %iota3A_1383, %and3A_1385 : vector<16xi32>
      %eq3A_1387 = arith.constant 2 : i32
      %eq3A_1388 = vector.broadcast %eq3A_1387 : i32 to vector<16xi32>
      %eq3A_1389 = arith.cmpi eq, %and3A_1386, %eq3A_1388 : vector<16xi32>
      %iota3A_1390 = tpu.iota {dimensions = array<i32: 0>} : vector<16xi32>
      %and3A_1391 = arith.constant 2 : i32
      %and3A_1392 = vector.broadcast %and3A_1391 : i32 to vector<16xi32>
      %and3A_1393 = arith.andi %iota3A_1390, %and3A_1392 : vector<16xi32>
      %eq3A_1394 = arith.constant 0 : i32
      %eq3A_1395 = vector.broadcast %eq3A_1394 : i32 to vector<16xi32>
      %eq3A_1396 = arith.cmpi eq, %and3A_1393, %eq3A_1395 : vector<16xi32>
      %iota3A_1397 = tpu.iota {dimensions = array<i32: 0>} : vector<16xi32>
      %and3A_1398 = arith.constant 2 : i32
      %and3A_1399 = vector.broadcast %and3A_1398 : i32 to vector<16xi32>
      %and3A_1400 = arith.andi %iota3A_1397, %and3A_1399 : vector<16xi32>
      %eq3A_1401 = arith.constant 0 : i32
      %eq3A_1402 = vector.broadcast %eq3A_1401 : i32 to vector<16xi32>
      %eq3A_1403 = arith.cmpi eq, %and3A_1400, %eq3A_1402 : vector<16xi32>
      %iota3A_1404 = tpu.iota {dimensions = array<i32: 0>} : vector<16xi32>
      %and3A_1405 = arith.constant 2 : i32
      %and3A_1406 = vector.broadcast %and3A_1405 : i32 to vector<16xi32>
      %and3A_1407 = arith.andi %iota3A_1404, %and3A_1406 : vector<16xi32>
      %eq3A_1408 = arith.constant 2 : i32
      %eq3A_1409 = vector.broadcast %eq3A_1408 : i32 to vector<16xi32>
      %eq3A_1410 = arith.cmpi eq, %and3A_1407, %eq3A_1409 : vector<16xi32>
      %iota3A_1411 = tpu.iota {dimensions = array<i32: 0>} : vector<16xi32>
      %and3A_1412 = arith.constant 2 : i32
      %and3A_1413 = vector.broadcast %and3A_1412 : i32 to vector<16xi32>
      %and3A_1414 = arith.andi %iota3A_1411, %and3A_1413 : vector<16xi32>
      %eq3A_1415 = arith.constant 2 : i32
      %eq3A_1416 = vector.broadcast %eq3A_1415 : i32 to vector<16xi32>
      %eq3A_1417 = arith.cmpi eq, %and3A_1414, %eq3A_1416 : vector<16xi32>
      %iota3A_1418 = tpu.iota {dimensions = array<i32: 0>} : vector<16xi32>
      %and3A_1419 = arith.constant 2 : i32
      %and3A_1420 = vector.broadcast %and3A_1419 : i32 to vector<16xi32>
      %and3A_1421 = arith.andi %iota3A_1418, %and3A_1420 : vector<16xi32>
      %eq3A_1422 = arith.constant 0 : i32
      %eq3A_1423 = vector.broadcast %eq3A_1422 : i32 to vector<16xi32>
      %eq3A_1424 = arith.cmpi eq, %and3A_1421, %eq3A_1423 : vector<16xi32>
      %iota3A_1425 = tpu.iota {dimensions = array<i32: 0>} : vector<16xi32>
      %and3A_1426 = arith.constant 2 : i32
      %and3A_1427 = vector.broadcast %and3A_1426 : i32 to vector<16xi32>
      %and3A_1428 = arith.andi %iota3A_1425, %and3A_1427 : vector<16xi32>
      %eq3A_1429 = arith.constant 0 : i32
      %eq3A_1430 = vector.broadcast %eq3A_1429 : i32 to vector<16xi32>
      %eq3A_1431 = arith.cmpi eq, %and3A_1428, %eq3A_1430 : vector<16xi32>
      %iota3A_1432 = tpu.iota {dimensions = array<i32: 0>} : vector<16xi32>
      %and3A_1433 = arith.constant 2 : i32
      %and3A_1434 = vector.broadcast %and3A_1433 : i32 to vector<16xi32>
      %and3A_1435 = arith.andi %iota3A_1432, %and3A_1434 : vector<16xi32>
      %eq3A_1436 = arith.constant 2 : i32
      %eq3A_1437 = vector.broadcast %eq3A_1436 : i32 to vector<16xi32>
      %eq3A_1438 = arith.cmpi eq, %and3A_1435, %eq3A_1437 : vector<16xi32>
      %iota3A_1439 = tpu.iota {dimensions = array<i32: 0>} : vector<16xi32>
      %and3A_1440 = arith.constant 2 : i32
      %and3A_1441 = vector.broadcast %and3A_1440 : i32 to vector<16xi32>
      %and3A_1442 = arith.andi %iota3A_1439, %and3A_1441 : vector<16xi32>
      %eq3A_1443 = arith.constant 2 : i32
      %eq3A_1444 = vector.broadcast %eq3A_1443 : i32 to vector<16xi32>
      %eq3A_1445 = arith.cmpi eq, %and3A_1442, %eq3A_1444 : vector<16xi32>
      %iota3A_1446 = tpu.iota {dimensions = array<i32: 0>} : vector<16xi32>
      %and3A_1447 = arith.constant 2 : i32
      %and3A_1448 = vector.broadcast %and3A_1447 : i32 to vector<16xi32>
      %and3A_1449 = arith.andi %iota3A_1446, %and3A_1448 : vector<16xi32>
      %eq3A_1450 = arith.constant 0 : i32
      %eq3A_1451 = vector.broadcast %eq3A_1450 : i32 to vector<16xi32>
      %eq3A_1452 = arith.cmpi eq, %and3A_1449, %eq3A_1451 : vector<16xi32>
      %iota3A_1453 = tpu.iota {dimensions = array<i32: 0>} : vector<16xi32>
      %and3A_1454 = arith.constant 2 : i32
      %and3A_1455 = vector.broadcast %and3A_1454 : i32 to vector<16xi32>
      %and3A_1456 = arith.andi %iota3A_1453, %and3A_1455 : vector<16xi32>
      %eq3A_1457 = arith.constant 0 : i32
      %eq3A_1458 = vector.broadcast %eq3A_1457 : i32 to vector<16xi32>
      %eq3A_1459 = arith.cmpi eq, %and3A_1456, %eq3A_1458 : vector<16xi32>
      %iota3A_1460 = tpu.iota {dimensions = array<i32: 0>} : vector<16xi32>
      %and3A_1461 = arith.constant 2 : i32
      %and3A_1462 = vector.broadcast %and3A_1461 : i32 to vector<16xi32>
      %and3A_1463 = arith.andi %iota3A_1460, %and3A_1462 : vector<16xi32>
      %eq3A_1464 = arith.constant 2 : i32
      %eq3A_1465 = vector.broadcast %eq3A_1464 : i32 to vector<16xi32>
      %eq3A_1466 = arith.cmpi eq, %and3A_1463, %eq3A_1465 : vector<16xi32>
      %iota3A_1467 = tpu.iota {dimensions = array<i32: 0>} : vector<16xi32>
      %and3A_1468 = arith.constant 2 : i32
      %and3A_1469 = vector.broadcast %and3A_1468 : i32 to vector<16xi32>
      %and3A_1470 = arith.andi %iota3A_1467, %and3A_1469 : vector<16xi32>
      %eq3A_1471 = arith.constant 2 : i32
      %eq3A_1472 = vector.broadcast %eq3A_1471 : i32 to vector<16xi32>
      %eq3A_1473 = arith.cmpi eq, %and3A_1470, %eq3A_1472 : vector<16xi32>
      %broadcast_in_dim3A_1474 = vector.shape_cast %xor3A_1361 : vector<16xi32> to vector<16x1xi32>
      %gather3A_1475 = vector.shape_cast %broadcast_in_dim3A_1474 : vector<16x1xi32> to vector<16xi32>
      %gather3A_1476 = tpu.dynamic_gather %select_n3A_1306[%gather3A_1475] in [0] : vector<16xf32>, vector<16xi32> -> vector<16xf32>
      %select_n3A_1477 = arith.select %eq3A_1368, %select_n3A_1298, %gather3A_1476 : vector<16xi1>, vector<16xf32>
      %broadcast_in_dim3A_1478 = vector.shape_cast %xor3A_1361 : vector<16xi32> to vector<16x1xi32>
      %gather3A_1479 = vector.shape_cast %broadcast_in_dim3A_1478 : vector<16x1xi32> to vector<16xi32>
      %gather3A_1480 = tpu.dynamic_gather %select_n3A_1310[%gather3A_1479] in [0] : vector<16xf32>, vector<16xi32> -> vector<16xf32>
      %select_n3A_1481 = arith.select %eq3A_1375, %select_n3A_1302, %gather3A_1480 : vector<16xi1>, vector<16xf32>
      %broadcast_in_dim3A_1482 = vector.shape_cast %xor3A_1361 : vector<16xi32> to vector<16x1xi32>
      %gather3A_1483 = vector.shape_cast %broadcast_in_dim3A_1482 : vector<16x1xi32> to vector<16xi32>
      %gather3A_1484 = tpu.dynamic_gather %select_n3A_1298[%gather3A_1483] in [0] : vector<16xf32>, vector<16xi32> -> vector<16xf32>
      %select_n3A_1485 = arith.select %eq3A_1382, %select_n3A_1306, %gather3A_1484 : vector<16xi1>, vector<16xf32>
      %broadcast_in_dim3A_1486 = vector.shape_cast %xor3A_1361 : vector<16xi32> to vector<16x1xi32>
      %gather3A_1487 = vector.shape_cast %broadcast_in_dim3A_1486 : vector<16x1xi32> to vector<16xi32>
      %gather3A_1488 = tpu.dynamic_gather %select_n3A_1302[%gather3A_1487] in [0] : vector<16xf32>, vector<16xi32> -> vector<16xf32>
      %select_n3A_1489 = arith.select %eq3A_1389, %select_n3A_1310, %gather3A_1488 : vector<16xi1>, vector<16xf32>
      %broadcast_in_dim3A_1490 = vector.shape_cast %xor3A_1361 : vector<16xi32> to vector<16x1xi32>
      %gather3A_1491 = vector.shape_cast %broadcast_in_dim3A_1490 : vector<16x1xi32> to vector<16xi32>
      %gather3A_1492 = tpu.dynamic_gather %select_n3A_1322[%gather3A_1491] in [0] : vector<16xf32>, vector<16xi32> -> vector<16xf32>
      %select_n3A_1493 = arith.select %eq3A_1396, %select_n3A_1314, %gather3A_1492 : vector<16xi1>, vector<16xf32>
      %broadcast_in_dim3A_1494 = vector.shape_cast %xor3A_1361 : vector<16xi32> to vector<16x1xi32>
      %gather3A_1495 = vector.shape_cast %broadcast_in_dim3A_1494 : vector<16x1xi32> to vector<16xi32>
      %gather3A_1496 = tpu.dynamic_gather %select_n3A_1326[%gather3A_1495] in [0] : vector<16xf32>, vector<16xi32> -> vector<16xf32>
      %select_n3A_1497 = arith.select %eq3A_1403, %select_n3A_1318, %gather3A_1496 : vector<16xi1>, vector<16xf32>
      %broadcast_in_dim3A_1498 = vector.shape_cast %xor3A_1361 : vector<16xi32> to vector<16x1xi32>
      %gather3A_1499 = vector.shape_cast %broadcast_in_dim3A_1498 : vector<16x1xi32> to vector<16xi32>
      %gather3A_1500 = tpu.dynamic_gather %select_n3A_1314[%gather3A_1499] in [0] : vector<16xf32>, vector<16xi32> -> vector<16xf32>
      %select_n3A_1501 = arith.select %eq3A_1410, %select_n3A_1322, %gather3A_1500 : vector<16xi1>, vector<16xf32>
      %broadcast_in_dim3A_1502 = vector.shape_cast %xor3A_1361 : vector<16xi32> to vector<16x1xi32>
      %gather3A_1503 = vector.shape_cast %broadcast_in_dim3A_1502 : vector<16x1xi32> to vector<16xi32>
      %gather3A_1504 = tpu.dynamic_gather %select_n3A_1318[%gather3A_1503] in [0] : vector<16xf32>, vector<16xi32> -> vector<16xf32>
      %select_n3A_1505 = arith.select %eq3A_1417, %select_n3A_1326, %gather3A_1504 : vector<16xi1>, vector<16xf32>
      %broadcast_in_dim3A_1506 = vector.shape_cast %xor3A_1361 : vector<16xi32> to vector<16x1xi32>
      %gather3A_1507 = vector.shape_cast %broadcast_in_dim3A_1506 : vector<16x1xi32> to vector<16xi32>
      %gather3A_1508 = tpu.dynamic_gather %select_n3A_1338[%gather3A_1507] in [0] : vector<16xf32>, vector<16xi32> -> vector<16xf32>
      %select_n3A_1509 = arith.select %eq3A_1424, %select_n3A_1330, %gather3A_1508 : vector<16xi1>, vector<16xf32>
      %broadcast_in_dim3A_1510 = vector.shape_cast %xor3A_1361 : vector<16xi32> to vector<16x1xi32>
      %gather3A_1511 = vector.shape_cast %broadcast_in_dim3A_1510 : vector<16x1xi32> to vector<16xi32>
      %gather3A_1512 = tpu.dynamic_gather %select_n3A_1342[%gather3A_1511] in [0] : vector<16xf32>, vector<16xi32> -> vector<16xf32>
      %select_n3A_1513 = arith.select %eq3A_1431, %select_n3A_1334, %gather3A_1512 : vector<16xi1>, vector<16xf32>
      %broadcast_in_dim3A_1514 = vector.shape_cast %xor3A_1361 : vector<16xi32> to vector<16x1xi32>
      %gather3A_1515 = vector.shape_cast %broadcast_in_dim3A_1514 : vector<16x1xi32> to vector<16xi32>
      %gather3A_1516 = tpu.dynamic_gather %select_n3A_1330[%gather3A_1515] in [0] : vector<16xf32>, vector<16xi32> -> vector<16xf32>
      %select_n3A_1517 = arith.select %eq3A_1438, %select_n3A_1338, %gather3A_1516 : vector<16xi1>, vector<16xf32>
      %broadcast_in_dim3A_1518 = vector.shape_cast %xor3A_1361 : vector<16xi32> to vector<16x1xi32>
      %gather3A_1519 = vector.shape_cast %broadcast_in_dim3A_1518 : vector<16x1xi32> to vector<16xi32>
      %gather3A_1520 = tpu.dynamic_gather %select_n3A_1334[%gather3A_1519] in [0] : vector<16xf32>, vector<16xi32> -> vector<16xf32>
      %select_n3A_1521 = arith.select %eq3A_1445, %select_n3A_1342, %gather3A_1520 : vector<16xi1>, vector<16xf32>
      %broadcast_in_dim3A_1522 = vector.shape_cast %xor3A_1361 : vector<16xi32> to vector<16x1xi32>
      %gather3A_1523 = vector.shape_cast %broadcast_in_dim3A_1522 : vector<16x1xi32> to vector<16xi32>
      %gather3A_1524 = tpu.dynamic_gather %select_n3A_1354[%gather3A_1523] in [0] : vector<16xf32>, vector<16xi32> -> vector<16xf32>
      %select_n3A_1525 = arith.select %eq3A_1452, %select_n3A_1346, %gather3A_1524 : vector<16xi1>, vector<16xf32>
      %broadcast_in_dim3A_1526 = vector.shape_cast %xor3A_1361 : vector<16xi32> to vector<16x1xi32>
      %gather3A_1527 = vector.shape_cast %broadcast_in_dim3A_1526 : vector<16x1xi32> to vector<16xi32>
      %gather3A_1528 = tpu.dynamic_gather %select_n3A_1358[%gather3A_1527] in [0] : vector<16xf32>, vector<16xi32> -> vector<16xf32>
      %select_n3A_1529 = arith.select %eq3A_1459, %select_n3A_1350, %gather3A_1528 : vector<16xi1>, vector<16xf32>
      %broadcast_in_dim3A_1530 = vector.shape_cast %xor3A_1361 : vector<16xi32> to vector<16x1xi32>
      %gather3A_1531 = vector.shape_cast %broadcast_in_dim3A_1530 : vector<16x1xi32> to vector<16xi32>
      %gather3A_1532 = tpu.dynamic_gather %select_n3A_1346[%gather3A_1531] in [0] : vector<16xf32>, vector<16xi32> -> vector<16xf32>
      %select_n3A_1533 = arith.select %eq3A_1466, %select_n3A_1354, %gather3A_1532 : vector<16xi1>, vector<16xf32>
      %broadcast_in_dim3A_1534 = vector.shape_cast %xor3A_1361 : vector<16xi32> to vector<16x1xi32>
      %gather3A_1535 = vector.shape_cast %broadcast_in_dim3A_1534 : vector<16x1xi32> to vector<16xi32>
      %gather3A_1536 = tpu.dynamic_gather %select_n3A_1350[%gather3A_1535] in [0] : vector<16xf32>, vector<16xi32> -> vector<16xf32>
      %select_n3A_1537 = arith.select %eq3A_1473, %select_n3A_1358, %gather3A_1536 : vector<16xi1>, vector<16xf32>
      %xor3A_1538 = arith.constant 4 : i32
      %xor3A_1539 = vector.broadcast %xor3A_1538 : i32 to vector<16xi32>
      %xor3A_1540 = arith.xori %iota3A_1179, %xor3A_1539 : vector<16xi32>
      %iota3A_1541 = tpu.iota {dimensions = array<i32: 0>} : vector<16xi32>
      %and3A_1542 = arith.constant 4 : i32
      %and3A_1543 = vector.broadcast %and3A_1542 : i32 to vector<16xi32>
      %and3A_1544 = arith.andi %iota3A_1541, %and3A_1543 : vector<16xi32>
      %eq3A_1545 = arith.constant 0 : i32
      %eq3A_1546 = vector.broadcast %eq3A_1545 : i32 to vector<16xi32>
      %eq3A_1547 = arith.cmpi eq, %and3A_1544, %eq3A_1546 : vector<16xi32>
      %iota3A_1548 = tpu.iota {dimensions = array<i32: 0>} : vector<16xi32>
      %and3A_1549 = arith.constant 4 : i32
      %and3A_1550 = vector.broadcast %and3A_1549 : i32 to vector<16xi32>
      %and3A_1551 = arith.andi %iota3A_1548, %and3A_1550 : vector<16xi32>
      %eq3A_1552 = arith.constant 0 : i32
      %eq3A_1553 = vector.broadcast %eq3A_1552 : i32 to vector<16xi32>
      %eq3A_1554 = arith.cmpi eq, %and3A_1551, %eq3A_1553 : vector<16xi32>
      %iota3A_1555 = tpu.iota {dimensions = array<i32: 0>} : vector<16xi32>
      %and3A_1556 = arith.constant 4 : i32
      %and3A_1557 = vector.broadcast %and3A_1556 : i32 to vector<16xi32>
      %and3A_1558 = arith.andi %iota3A_1555, %and3A_1557 : vector<16xi32>
      %eq3A_1559 = arith.constant 0 : i32
      %eq3A_1560 = vector.broadcast %eq3A_1559 : i32 to vector<16xi32>
      %eq3A_1561 = arith.cmpi eq, %and3A_1558, %eq3A_1560 : vector<16xi32>
      %iota3A_1562 = tpu.iota {dimensions = array<i32: 0>} : vector<16xi32>
      %and3A_1563 = arith.constant 4 : i32
      %and3A_1564 = vector.broadcast %and3A_1563 : i32 to vector<16xi32>
      %and3A_1565 = arith.andi %iota3A_1562, %and3A_1564 : vector<16xi32>
      %eq3A_1566 = arith.constant 0 : i32
      %eq3A_1567 = vector.broadcast %eq3A_1566 : i32 to vector<16xi32>
      %eq3A_1568 = arith.cmpi eq, %and3A_1565, %eq3A_1567 : vector<16xi32>
      %iota3A_1569 = tpu.iota {dimensions = array<i32: 0>} : vector<16xi32>
      %and3A_1570 = arith.constant 4 : i32
      %and3A_1571 = vector.broadcast %and3A_1570 : i32 to vector<16xi32>
      %and3A_1572 = arith.andi %iota3A_1569, %and3A_1571 : vector<16xi32>
      %eq3A_1573 = arith.constant 4 : i32
      %eq3A_1574 = vector.broadcast %eq3A_1573 : i32 to vector<16xi32>
      %eq3A_1575 = arith.cmpi eq, %and3A_1572, %eq3A_1574 : vector<16xi32>
      %iota3A_1576 = tpu.iota {dimensions = array<i32: 0>} : vector<16xi32>
      %and3A_1577 = arith.constant 4 : i32
      %and3A_1578 = vector.broadcast %and3A_1577 : i32 to vector<16xi32>
      %and3A_1579 = arith.andi %iota3A_1576, %and3A_1578 : vector<16xi32>
      %eq3A_1580 = arith.constant 4 : i32
      %eq3A_1581 = vector.broadcast %eq3A_1580 : i32 to vector<16xi32>
      %eq3A_1582 = arith.cmpi eq, %and3A_1579, %eq3A_1581 : vector<16xi32>
      %iota3A_1583 = tpu.iota {dimensions = array<i32: 0>} : vector<16xi32>
      %and3A_1584 = arith.constant 4 : i32
      %and3A_1585 = vector.broadcast %and3A_1584 : i32 to vector<16xi32>
      %and3A_1586 = arith.andi %iota3A_1583, %and3A_1585 : vector<16xi32>
      %eq3A_1587 = arith.constant 4 : i32
      %eq3A_1588 = vector.broadcast %eq3A_1587 : i32 to vector<16xi32>
      %eq3A_1589 = arith.cmpi eq, %and3A_1586, %eq3A_1588 : vector<16xi32>
      %iota3A_1590 = tpu.iota {dimensions = array<i32: 0>} : vector<16xi32>
      %and3A_1591 = arith.constant 4 : i32
      %and3A_1592 = vector.broadcast %and3A_1591 : i32 to vector<16xi32>
      %and3A_1593 = arith.andi %iota3A_1590, %and3A_1592 : vector<16xi32>
      %eq3A_1594 = arith.constant 4 : i32
      %eq3A_1595 = vector.broadcast %eq3A_1594 : i32 to vector<16xi32>
      %eq3A_1596 = arith.cmpi eq, %and3A_1593, %eq3A_1595 : vector<16xi32>
      %iota3A_1597 = tpu.iota {dimensions = array<i32: 0>} : vector<16xi32>
      %and3A_1598 = arith.constant 4 : i32
      %and3A_1599 = vector.broadcast %and3A_1598 : i32 to vector<16xi32>
      %and3A_1600 = arith.andi %iota3A_1597, %and3A_1599 : vector<16xi32>
      %eq3A_1601 = arith.constant 0 : i32
      %eq3A_1602 = vector.broadcast %eq3A_1601 : i32 to vector<16xi32>
      %eq3A_1603 = arith.cmpi eq, %and3A_1600, %eq3A_1602 : vector<16xi32>
      %iota3A_1604 = tpu.iota {dimensions = array<i32: 0>} : vector<16xi32>
      %and3A_1605 = arith.constant 4 : i32
      %and3A_1606 = vector.broadcast %and3A_1605 : i32 to vector<16xi32>
      %and3A_1607 = arith.andi %iota3A_1604, %and3A_1606 : vector<16xi32>
      %eq3A_1608 = arith.constant 0 : i32
      %eq3A_1609 = vector.broadcast %eq3A_1608 : i32 to vector<16xi32>
      %eq3A_1610 = arith.cmpi eq, %and3A_1607, %eq3A_1609 : vector<16xi32>
      %iota3A_1611 = tpu.iota {dimensions = array<i32: 0>} : vector<16xi32>
      %and3A_1612 = arith.constant 4 : i32
      %and3A_1613 = vector.broadcast %and3A_1612 : i32 to vector<16xi32>
      %and3A_1614 = arith.andi %iota3A_1611, %and3A_1613 : vector<16xi32>
      %eq3A_1615 = arith.constant 0 : i32
      %eq3A_1616 = vector.broadcast %eq3A_1615 : i32 to vector<16xi32>
      %eq3A_1617 = arith.cmpi eq, %and3A_1614, %eq3A_1616 : vector<16xi32>
      %iota3A_1618 = tpu.iota {dimensions = array<i32: 0>} : vector<16xi32>
      %and3A_1619 = arith.constant 4 : i32
      %and3A_1620 = vector.broadcast %and3A_1619 : i32 to vector<16xi32>
      %and3A_1621 = arith.andi %iota3A_1618, %and3A_1620 : vector<16xi32>
      %eq3A_1622 = arith.constant 0 : i32
      %eq3A_1623 = vector.broadcast %eq3A_1622 : i32 to vector<16xi32>
      %eq3A_1624 = arith.cmpi eq, %and3A_1621, %eq3A_1623 : vector<16xi32>
      %iota3A_1625 = tpu.iota {dimensions = array<i32: 0>} : vector<16xi32>
      %and3A_1626 = arith.constant 4 : i32
      %and3A_1627 = vector.broadcast %and3A_1626 : i32 to vector<16xi32>
      %and3A_1628 = arith.andi %iota3A_1625, %and3A_1627 : vector<16xi32>
      %eq3A_1629 = arith.constant 4 : i32
      %eq3A_1630 = vector.broadcast %eq3A_1629 : i32 to vector<16xi32>
      %eq3A_1631 = arith.cmpi eq, %and3A_1628, %eq3A_1630 : vector<16xi32>
      %iota3A_1632 = tpu.iota {dimensions = array<i32: 0>} : vector<16xi32>
      %and3A_1633 = arith.constant 4 : i32
      %and3A_1634 = vector.broadcast %and3A_1633 : i32 to vector<16xi32>
      %and3A_1635 = arith.andi %iota3A_1632, %and3A_1634 : vector<16xi32>
      %eq3A_1636 = arith.constant 4 : i32
      %eq3A_1637 = vector.broadcast %eq3A_1636 : i32 to vector<16xi32>
      %eq3A_1638 = arith.cmpi eq, %and3A_1635, %eq3A_1637 : vector<16xi32>
      %iota3A_1639 = tpu.iota {dimensions = array<i32: 0>} : vector<16xi32>
      %and3A_1640 = arith.constant 4 : i32
      %and3A_1641 = vector.broadcast %and3A_1640 : i32 to vector<16xi32>
      %and3A_1642 = arith.andi %iota3A_1639, %and3A_1641 : vector<16xi32>
      %eq3A_1643 = arith.constant 4 : i32
      %eq3A_1644 = vector.broadcast %eq3A_1643 : i32 to vector<16xi32>
      %eq3A_1645 = arith.cmpi eq, %and3A_1642, %eq3A_1644 : vector<16xi32>
      %iota3A_1646 = tpu.iota {dimensions = array<i32: 0>} : vector<16xi32>
      %and3A_1647 = arith.constant 4 : i32
      %and3A_1648 = vector.broadcast %and3A_1647 : i32 to vector<16xi32>
      %and3A_1649 = arith.andi %iota3A_1646, %and3A_1648 : vector<16xi32>
      %eq3A_1650 = arith.constant 4 : i32
      %eq3A_1651 = vector.broadcast %eq3A_1650 : i32 to vector<16xi32>
      %eq3A_1652 = arith.cmpi eq, %and3A_1649, %eq3A_1651 : vector<16xi32>
      %broadcast_in_dim3A_1653 = vector.shape_cast %xor3A_1540 : vector<16xi32> to vector<16x1xi32>
      %gather3A_1654 = vector.shape_cast %broadcast_in_dim3A_1653 : vector<16x1xi32> to vector<16xi32>
      %gather3A_1655 = tpu.dynamic_gather %select_n3A_1493[%gather3A_1654] in [0] : vector<16xf32>, vector<16xi32> -> vector<16xf32>
      %select_n3A_1656 = arith.select %eq3A_1547, %select_n3A_1477, %gather3A_1655 : vector<16xi1>, vector<16xf32>
      %broadcast_in_dim3A_1657 = vector.shape_cast %xor3A_1540 : vector<16xi32> to vector<16x1xi32>
      %gather3A_1658 = vector.shape_cast %broadcast_in_dim3A_1657 : vector<16x1xi32> to vector<16xi32>
      %gather3A_1659 = tpu.dynamic_gather %select_n3A_1497[%gather3A_1658] in [0] : vector<16xf32>, vector<16xi32> -> vector<16xf32>
      %select_n3A_1660 = arith.select %eq3A_1554, %select_n3A_1481, %gather3A_1659 : vector<16xi1>, vector<16xf32>
      %broadcast_in_dim3A_1661 = vector.shape_cast %xor3A_1540 : vector<16xi32> to vector<16x1xi32>
      %gather3A_1662 = vector.shape_cast %broadcast_in_dim3A_1661 : vector<16x1xi32> to vector<16xi32>
      %gather3A_1663 = tpu.dynamic_gather %select_n3A_1501[%gather3A_1662] in [0] : vector<16xf32>, vector<16xi32> -> vector<16xf32>
      %select_n3A_1664 = arith.select %eq3A_1561, %select_n3A_1485, %gather3A_1663 : vector<16xi1>, vector<16xf32>
      %broadcast_in_dim3A_1665 = vector.shape_cast %xor3A_1540 : vector<16xi32> to vector<16x1xi32>
      %gather3A_1666 = vector.shape_cast %broadcast_in_dim3A_1665 : vector<16x1xi32> to vector<16xi32>
      %gather3A_1667 = tpu.dynamic_gather %select_n3A_1505[%gather3A_1666] in [0] : vector<16xf32>, vector<16xi32> -> vector<16xf32>
      %select_n3A_1668 = arith.select %eq3A_1568, %select_n3A_1489, %gather3A_1667 : vector<16xi1>, vector<16xf32>
      %broadcast_in_dim3A_1669 = vector.shape_cast %xor3A_1540 : vector<16xi32> to vector<16x1xi32>
      %gather3A_1670 = vector.shape_cast %broadcast_in_dim3A_1669 : vector<16x1xi32> to vector<16xi32>
      %gather3A_1671 = tpu.dynamic_gather %select_n3A_1477[%gather3A_1670] in [0] : vector<16xf32>, vector<16xi32> -> vector<16xf32>
      %select_n3A_1672 = arith.select %eq3A_1575, %select_n3A_1493, %gather3A_1671 : vector<16xi1>, vector<16xf32>
      %broadcast_in_dim3A_1673 = vector.shape_cast %xor3A_1540 : vector<16xi32> to vector<16x1xi32>
      %gather3A_1674 = vector.shape_cast %broadcast_in_dim3A_1673 : vector<16x1xi32> to vector<16xi32>
      %gather3A_1675 = tpu.dynamic_gather %select_n3A_1481[%gather3A_1674] in [0] : vector<16xf32>, vector<16xi32> -> vector<16xf32>
      %select_n3A_1676 = arith.select %eq3A_1582, %select_n3A_1497, %gather3A_1675 : vector<16xi1>, vector<16xf32>
      %broadcast_in_dim3A_1677 = vector.shape_cast %xor3A_1540 : vector<16xi32> to vector<16x1xi32>
      %gather3A_1678 = vector.shape_cast %broadcast_in_dim3A_1677 : vector<16x1xi32> to vector<16xi32>
      %gather3A_1679 = tpu.dynamic_gather %select_n3A_1485[%gather3A_1678] in [0] : vector<16xf32>, vector<16xi32> -> vector<16xf32>
      %select_n3A_1680 = arith.select %eq3A_1589, %select_n3A_1501, %gather3A_1679 : vector<16xi1>, vector<16xf32>
      %broadcast_in_dim3A_1681 = vector.shape_cast %xor3A_1540 : vector<16xi32> to vector<16x1xi32>
      %gather3A_1682 = vector.shape_cast %broadcast_in_dim3A_1681 : vector<16x1xi32> to vector<16xi32>
      %gather3A_1683 = tpu.dynamic_gather %select_n3A_1489[%gather3A_1682] in [0] : vector<16xf32>, vector<16xi32> -> vector<16xf32>
      %select_n3A_1684 = arith.select %eq3A_1596, %select_n3A_1505, %gather3A_1683 : vector<16xi1>, vector<16xf32>
      %broadcast_in_dim3A_1685 = vector.shape_cast %xor3A_1540 : vector<16xi32> to vector<16x1xi32>
      %gather3A_1686 = vector.shape_cast %broadcast_in_dim3A_1685 : vector<16x1xi32> to vector<16xi32>
      %gather3A_1687 = tpu.dynamic_gather %select_n3A_1525[%gather3A_1686] in [0] : vector<16xf32>, vector<16xi32> -> vector<16xf32>
      %select_n3A_1688 = arith.select %eq3A_1603, %select_n3A_1509, %gather3A_1687 : vector<16xi1>, vector<16xf32>
      %broadcast_in_dim3A_1689 = vector.shape_cast %xor3A_1540 : vector<16xi32> to vector<16x1xi32>
      %gather3A_1690 = vector.shape_cast %broadcast_in_dim3A_1689 : vector<16x1xi32> to vector<16xi32>
      %gather3A_1691 = tpu.dynamic_gather %select_n3A_1529[%gather3A_1690] in [0] : vector<16xf32>, vector<16xi32> -> vector<16xf32>
      %select_n3A_1692 = arith.select %eq3A_1610, %select_n3A_1513, %gather3A_1691 : vector<16xi1>, vector<16xf32>
      %broadcast_in_dim3A_1693 = vector.shape_cast %xor3A_1540 : vector<16xi32> to vector<16x1xi32>
      %gather3A_1694 = vector.shape_cast %broadcast_in_dim3A_1693 : vector<16x1xi32> to vector<16xi32>
      %gather3A_1695 = tpu.dynamic_gather %select_n3A_1533[%gather3A_1694] in [0] : vector<16xf32>, vector<16xi32> -> vector<16xf32>
      %select_n3A_1696 = arith.select %eq3A_1617, %select_n3A_1517, %gather3A_1695 : vector<16xi1>, vector<16xf32>
      %broadcast_in_dim3A_1697 = vector.shape_cast %xor3A_1540 : vector<16xi32> to vector<16x1xi32>
      %gather3A_1698 = vector.shape_cast %broadcast_in_dim3A_1697 : vector<16x1xi32> to vector<16xi32>
      %gather3A_1699 = tpu.dynamic_gather %select_n3A_1537[%gather3A_1698] in [0] : vector<16xf32>, vector<16xi32> -> vector<16xf32>
      %select_n3A_1700 = arith.select %eq3A_1624, %select_n3A_1521, %gather3A_1699 : vector<16xi1>, vector<16xf32>
      %broadcast_in_dim3A_1701 = vector.shape_cast %xor3A_1540 : vector<16xi32> to vector<16x1xi32>
      %gather3A_1702 = vector.shape_cast %broadcast_in_dim3A_1701 : vector<16x1xi32> to vector<16xi32>
      %gather3A_1703 = tpu.dynamic_gather %select_n3A_1509[%gather3A_1702] in [0] : vector<16xf32>, vector<16xi32> -> vector<16xf32>
      %select_n3A_1704 = arith.select %eq3A_1631, %select_n3A_1525, %gather3A_1703 : vector<16xi1>, vector<16xf32>
      %broadcast_in_dim3A_1705 = vector.shape_cast %xor3A_1540 : vector<16xi32> to vector<16x1xi32>
      %gather3A_1706 = vector.shape_cast %broadcast_in_dim3A_1705 : vector<16x1xi32> to vector<16xi32>
      %gather3A_1707 = tpu.dynamic_gather %select_n3A_1513[%gather3A_1706] in [0] : vector<16xf32>, vector<16xi32> -> vector<16xf32>
      %select_n3A_1708 = arith.select %eq3A_1638, %select_n3A_1529, %gather3A_1707 : vector<16xi1>, vector<16xf32>
      %broadcast_in_dim3A_1709 = vector.shape_cast %xor3A_1540 : vector<16xi32> to vector<16x1xi32>
      %gather3A_1710 = vector.shape_cast %broadcast_in_dim3A_1709 : vector<16x1xi32> to vector<16xi32>
      %gather3A_1711 = tpu.dynamic_gather %select_n3A_1517[%gather3A_1710] in [0] : vector<16xf32>, vector<16xi32> -> vector<16xf32>
      %select_n3A_1712 = arith.select %eq3A_1645, %select_n3A_1533, %gather3A_1711 : vector<16xi1>, vector<16xf32>
      %broadcast_in_dim3A_1713 = vector.shape_cast %xor3A_1540 : vector<16xi32> to vector<16x1xi32>
      %gather3A_1714 = vector.shape_cast %broadcast_in_dim3A_1713 : vector<16x1xi32> to vector<16xi32>
      %gather3A_1715 = tpu.dynamic_gather %select_n3A_1521[%gather3A_1714] in [0] : vector<16xf32>, vector<16xi32> -> vector<16xf32>
      %select_n3A_1716 = arith.select %eq3A_1652, %select_n3A_1537, %gather3A_1715 : vector<16xi1>, vector<16xf32>
      %xor3A_1717 = arith.constant 8 : i32
      %xor3A_1718 = vector.broadcast %xor3A_1717 : i32 to vector<16xi32>
      %xor3A_1719 = arith.xori %iota3A_1179, %xor3A_1718 : vector<16xi32>
      %iota3A_1720 = tpu.iota {dimensions = array<i32: 0>} : vector<16xi32>
      %and3A_1721 = arith.constant 8 : i32
      %and3A_1722 = vector.broadcast %and3A_1721 : i32 to vector<16xi32>
      %and3A_1723 = arith.andi %iota3A_1720, %and3A_1722 : vector<16xi32>
      %eq3A_1724 = arith.constant 0 : i32
      %eq3A_1725 = vector.broadcast %eq3A_1724 : i32 to vector<16xi32>
      %eq3A_1726 = arith.cmpi eq, %and3A_1723, %eq3A_1725 : vector<16xi32>
      %iota3A_1727 = tpu.iota {dimensions = array<i32: 0>} : vector<16xi32>
      %and3A_1728 = arith.constant 8 : i32
      %and3A_1729 = vector.broadcast %and3A_1728 : i32 to vector<16xi32>
      %and3A_1730 = arith.andi %iota3A_1727, %and3A_1729 : vector<16xi32>
      %eq3A_1731 = arith.constant 0 : i32
      %eq3A_1732 = vector.broadcast %eq3A_1731 : i32 to vector<16xi32>
      %eq3A_1733 = arith.cmpi eq, %and3A_1730, %eq3A_1732 : vector<16xi32>
      %iota3A_1734 = tpu.iota {dimensions = array<i32: 0>} : vector<16xi32>
      %and3A_1735 = arith.constant 8 : i32
      %and3A_1736 = vector.broadcast %and3A_1735 : i32 to vector<16xi32>
      %and3A_1737 = arith.andi %iota3A_1734, %and3A_1736 : vector<16xi32>
      %eq3A_1738 = arith.constant 0 : i32
      %eq3A_1739 = vector.broadcast %eq3A_1738 : i32 to vector<16xi32>
      %eq3A_1740 = arith.cmpi eq, %and3A_1737, %eq3A_1739 : vector<16xi32>
      %iota3A_1741 = tpu.iota {dimensions = array<i32: 0>} : vector<16xi32>
      %and3A_1742 = arith.constant 8 : i32
      %and3A_1743 = vector.broadcast %and3A_1742 : i32 to vector<16xi32>
      %and3A_1744 = arith.andi %iota3A_1741, %and3A_1743 : vector<16xi32>
      %eq3A_1745 = arith.constant 0 : i32
      %eq3A_1746 = vector.broadcast %eq3A_1745 : i32 to vector<16xi32>
      %eq3A_1747 = arith.cmpi eq, %and3A_1744, %eq3A_1746 : vector<16xi32>
      %iota3A_1748 = tpu.iota {dimensions = array<i32: 0>} : vector<16xi32>
      %and3A_1749 = arith.constant 8 : i32
      %and3A_1750 = vector.broadcast %and3A_1749 : i32 to vector<16xi32>
      %and3A_1751 = arith.andi %iota3A_1748, %and3A_1750 : vector<16xi32>
      %eq3A_1752 = arith.constant 0 : i32
      %eq3A_1753 = vector.broadcast %eq3A_1752 : i32 to vector<16xi32>
      %eq3A_1754 = arith.cmpi eq, %and3A_1751, %eq3A_1753 : vector<16xi32>
      %iota3A_1755 = tpu.iota {dimensions = array<i32: 0>} : vector<16xi32>
      %and3A_1756 = arith.constant 8 : i32
      %and3A_1757 = vector.broadcast %and3A_1756 : i32 to vector<16xi32>
      %and3A_1758 = arith.andi %iota3A_1755, %and3A_1757 : vector<16xi32>
      %eq3A_1759 = arith.constant 0 : i32
      %eq3A_1760 = vector.broadcast %eq3A_1759 : i32 to vector<16xi32>
      %eq3A_1761 = arith.cmpi eq, %and3A_1758, %eq3A_1760 : vector<16xi32>
      %iota3A_1762 = tpu.iota {dimensions = array<i32: 0>} : vector<16xi32>
      %and3A_1763 = arith.constant 8 : i32
      %and3A_1764 = vector.broadcast %and3A_1763 : i32 to vector<16xi32>
      %and3A_1765 = arith.andi %iota3A_1762, %and3A_1764 : vector<16xi32>
      %eq3A_1766 = arith.constant 0 : i32
      %eq3A_1767 = vector.broadcast %eq3A_1766 : i32 to vector<16xi32>
      %eq3A_1768 = arith.cmpi eq, %and3A_1765, %eq3A_1767 : vector<16xi32>
      %iota3A_1769 = tpu.iota {dimensions = array<i32: 0>} : vector<16xi32>
      %and3A_1770 = arith.constant 8 : i32
      %and3A_1771 = vector.broadcast %and3A_1770 : i32 to vector<16xi32>
      %and3A_1772 = arith.andi %iota3A_1769, %and3A_1771 : vector<16xi32>
      %eq3A_1773 = arith.constant 0 : i32
      %eq3A_1774 = vector.broadcast %eq3A_1773 : i32 to vector<16xi32>
      %eq3A_1775 = arith.cmpi eq, %and3A_1772, %eq3A_1774 : vector<16xi32>
      %iota3A_1776 = tpu.iota {dimensions = array<i32: 0>} : vector<16xi32>
      %and3A_1777 = arith.constant 8 : i32
      %and3A_1778 = vector.broadcast %and3A_1777 : i32 to vector<16xi32>
      %and3A_1779 = arith.andi %iota3A_1776, %and3A_1778 : vector<16xi32>
      %eq3A_1780 = arith.constant 8 : i32
      %eq3A_1781 = vector.broadcast %eq3A_1780 : i32 to vector<16xi32>
      %eq3A_1782 = arith.cmpi eq, %and3A_1779, %eq3A_1781 : vector<16xi32>
      %iota3A_1783 = tpu.iota {dimensions = array<i32: 0>} : vector<16xi32>
      %and3A_1784 = arith.constant 8 : i32
      %and3A_1785 = vector.broadcast %and3A_1784 : i32 to vector<16xi32>
      %and3A_1786 = arith.andi %iota3A_1783, %and3A_1785 : vector<16xi32>
      %eq3A_1787 = arith.constant 8 : i32
      %eq3A_1788 = vector.broadcast %eq3A_1787 : i32 to vector<16xi32>
      %eq3A_1789 = arith.cmpi eq, %and3A_1786, %eq3A_1788 : vector<16xi32>
      %iota3A_1790 = tpu.iota {dimensions = array<i32: 0>} : vector<16xi32>
      %and3A_1791 = arith.constant 8 : i32
      %and3A_1792 = vector.broadcast %and3A_1791 : i32 to vector<16xi32>
      %and3A_1793 = arith.andi %iota3A_1790, %and3A_1792 : vector<16xi32>
      %eq3A_1794 = arith.constant 8 : i32
      %eq3A_1795 = vector.broadcast %eq3A_1794 : i32 to vector<16xi32>
      %eq3A_1796 = arith.cmpi eq, %and3A_1793, %eq3A_1795 : vector<16xi32>
      %iota3A_1797 = tpu.iota {dimensions = array<i32: 0>} : vector<16xi32>
      %and3A_1798 = arith.constant 8 : i32
      %and3A_1799 = vector.broadcast %and3A_1798 : i32 to vector<16xi32>
      %and3A_1800 = arith.andi %iota3A_1797, %and3A_1799 : vector<16xi32>
      %eq3A_1801 = arith.constant 8 : i32
      %eq3A_1802 = vector.broadcast %eq3A_1801 : i32 to vector<16xi32>
      %eq3A_1803 = arith.cmpi eq, %and3A_1800, %eq3A_1802 : vector<16xi32>
      %iota3A_1804 = tpu.iota {dimensions = array<i32: 0>} : vector<16xi32>
      %and3A_1805 = arith.constant 8 : i32
      %and3A_1806 = vector.broadcast %and3A_1805 : i32 to vector<16xi32>
      %and3A_1807 = arith.andi %iota3A_1804, %and3A_1806 : vector<16xi32>
      %eq3A_1808 = arith.constant 8 : i32
      %eq3A_1809 = vector.broadcast %eq3A_1808 : i32 to vector<16xi32>
      %eq3A_1810 = arith.cmpi eq, %and3A_1807, %eq3A_1809 : vector<16xi32>
      %iota3A_1811 = tpu.iota {dimensions = array<i32: 0>} : vector<16xi32>
      %and3A_1812 = arith.constant 8 : i32
      %and3A_1813 = vector.broadcast %and3A_1812 : i32 to vector<16xi32>
      %and3A_1814 = arith.andi %iota3A_1811, %and3A_1813 : vector<16xi32>
      %eq3A_1815 = arith.constant 8 : i32
      %eq3A_1816 = vector.broadcast %eq3A_1815 : i32 to vector<16xi32>
      %eq3A_1817 = arith.cmpi eq, %and3A_1814, %eq3A_1816 : vector<16xi32>
      %iota3A_1818 = tpu.iota {dimensions = array<i32: 0>} : vector<16xi32>
      %and3A_1819 = arith.constant 8 : i32
      %and3A_1820 = vector.broadcast %and3A_1819 : i32 to vector<16xi32>
      %and3A_1821 = arith.andi %iota3A_1818, %and3A_1820 : vector<16xi32>
      %eq3A_1822 = arith.constant 8 : i32
      %eq3A_1823 = vector.broadcast %eq3A_1822 : i32 to vector<16xi32>
      %eq3A_1824 = arith.cmpi eq, %and3A_1821, %eq3A_1823 : vector<16xi32>
      %iota3A_1825 = tpu.iota {dimensions = array<i32: 0>} : vector<16xi32>
      %and3A_1826 = arith.constant 8 : i32
      %and3A_1827 = vector.broadcast %and3A_1826 : i32 to vector<16xi32>
      %and3A_1828 = arith.andi %iota3A_1825, %and3A_1827 : vector<16xi32>
      %eq3A_1829 = arith.constant 8 : i32
      %eq3A_1830 = vector.broadcast %eq3A_1829 : i32 to vector<16xi32>
      %eq3A_1831 = arith.cmpi eq, %and3A_1828, %eq3A_1830 : vector<16xi32>
      %broadcast_in_dim3A_1832 = vector.shape_cast %xor3A_1719 : vector<16xi32> to vector<16x1xi32>
      %gather3A_1833 = vector.shape_cast %broadcast_in_dim3A_1832 : vector<16x1xi32> to vector<16xi32>
      %gather3A_1834 = tpu.dynamic_gather %select_n3A_1688[%gather3A_1833] in [0] : vector<16xf32>, vector<16xi32> -> vector<16xf32>
      %select_n3A_1835 = arith.select %eq3A_1726, %select_n3A_1656, %gather3A_1834 : vector<16xi1>, vector<16xf32>
      %broadcast_in_dim3A_1836 = vector.shape_cast %xor3A_1719 : vector<16xi32> to vector<16x1xi32>
      %gather3A_1837 = vector.shape_cast %broadcast_in_dim3A_1836 : vector<16x1xi32> to vector<16xi32>
      %gather3A_1838 = tpu.dynamic_gather %select_n3A_1692[%gather3A_1837] in [0] : vector<16xf32>, vector<16xi32> -> vector<16xf32>
      %select_n3A_1839 = arith.select %eq3A_1733, %select_n3A_1660, %gather3A_1838 : vector<16xi1>, vector<16xf32>
      %broadcast_in_dim3A_1840 = vector.shape_cast %xor3A_1719 : vector<16xi32> to vector<16x1xi32>
      %gather3A_1841 = vector.shape_cast %broadcast_in_dim3A_1840 : vector<16x1xi32> to vector<16xi32>
      %gather3A_1842 = tpu.dynamic_gather %select_n3A_1696[%gather3A_1841] in [0] : vector<16xf32>, vector<16xi32> -> vector<16xf32>
      %select_n3A_1843 = arith.select %eq3A_1740, %select_n3A_1664, %gather3A_1842 : vector<16xi1>, vector<16xf32>
      %broadcast_in_dim3A_1844 = vector.shape_cast %xor3A_1719 : vector<16xi32> to vector<16x1xi32>
      %gather3A_1845 = vector.shape_cast %broadcast_in_dim3A_1844 : vector<16x1xi32> to vector<16xi32>
      %gather3A_1846 = tpu.dynamic_gather %select_n3A_1700[%gather3A_1845] in [0] : vector<16xf32>, vector<16xi32> -> vector<16xf32>
      %select_n3A_1847 = arith.select %eq3A_1747, %select_n3A_1668, %gather3A_1846 : vector<16xi1>, vector<16xf32>
      %broadcast_in_dim3A_1848 = vector.shape_cast %xor3A_1719 : vector<16xi32> to vector<16x1xi32>
      %gather3A_1849 = vector.shape_cast %broadcast_in_dim3A_1848 : vector<16x1xi32> to vector<16xi32>
      %gather3A_1850 = tpu.dynamic_gather %select_n3A_1704[%gather3A_1849] in [0] : vector<16xf32>, vector<16xi32> -> vector<16xf32>
      %select_n3A_1851 = arith.select %eq3A_1754, %select_n3A_1672, %gather3A_1850 : vector<16xi1>, vector<16xf32>
      %broadcast_in_dim3A_1852 = vector.shape_cast %xor3A_1719 : vector<16xi32> to vector<16x1xi32>
      %gather3A_1853 = vector.shape_cast %broadcast_in_dim3A_1852 : vector<16x1xi32> to vector<16xi32>
      %gather3A_1854 = tpu.dynamic_gather %select_n3A_1708[%gather3A_1853] in [0] : vector<16xf32>, vector<16xi32> -> vector<16xf32>
      %select_n3A_1855 = arith.select %eq3A_1761, %select_n3A_1676, %gather3A_1854 : vector<16xi1>, vector<16xf32>
      %broadcast_in_dim3A_1856 = vector.shape_cast %xor3A_1719 : vector<16xi32> to vector<16x1xi32>
      %gather3A_1857 = vector.shape_cast %broadcast_in_dim3A_1856 : vector<16x1xi32> to vector<16xi32>
      %gather3A_1858 = tpu.dynamic_gather %select_n3A_1712[%gather3A_1857] in [0] : vector<16xf32>, vector<16xi32> -> vector<16xf32>
      %select_n3A_1859 = arith.select %eq3A_1768, %select_n3A_1680, %gather3A_1858 : vector<16xi1>, vector<16xf32>
      %broadcast_in_dim3A_1860 = vector.shape_cast %xor3A_1719 : vector<16xi32> to vector<16x1xi32>
      %gather3A_1861 = vector.shape_cast %broadcast_in_dim3A_1860 : vector<16x1xi32> to vector<16xi32>
      %gather3A_1862 = tpu.dynamic_gather %select_n3A_1716[%gather3A_1861] in [0] : vector<16xf32>, vector<16xi32> -> vector<16xf32>
      %select_n3A_1863 = arith.select %eq3A_1775, %select_n3A_1684, %gather3A_1862 : vector<16xi1>, vector<16xf32>
      %broadcast_in_dim3A_1864 = vector.shape_cast %xor3A_1719 : vector<16xi32> to vector<16x1xi32>
      %gather3A_1865 = vector.shape_cast %broadcast_in_dim3A_1864 : vector<16x1xi32> to vector<16xi32>
      %gather3A_1866 = tpu.dynamic_gather %select_n3A_1656[%gather3A_1865] in [0] : vector<16xf32>, vector<16xi32> -> vector<16xf32>
      %select_n3A_1867 = arith.select %eq3A_1782, %select_n3A_1688, %gather3A_1866 : vector<16xi1>, vector<16xf32>
      %broadcast_in_dim3A_1868 = vector.shape_cast %xor3A_1719 : vector<16xi32> to vector<16x1xi32>
      %gather3A_1869 = vector.shape_cast %broadcast_in_dim3A_1868 : vector<16x1xi32> to vector<16xi32>
      %gather3A_1870 = tpu.dynamic_gather %select_n3A_1660[%gather3A_1869] in [0] : vector<16xf32>, vector<16xi32> -> vector<16xf32>
      %select_n3A_1871 = arith.select %eq3A_1789, %select_n3A_1692, %gather3A_1870 : vector<16xi1>, vector<16xf32>
      %broadcast_in_dim3A_1872 = vector.shape_cast %xor3A_1719 : vector<16xi32> to vector<16x1xi32>
      %gather3A_1873 = vector.shape_cast %broadcast_in_dim3A_1872 : vector<16x1xi32> to vector<16xi32>
      %gather3A_1874 = tpu.dynamic_gather %select_n3A_1664[%gather3A_1873] in [0] : vector<16xf32>, vector<16xi32> -> vector<16xf32>
      %select_n3A_1875 = arith.select %eq3A_1796, %select_n3A_1696, %gather3A_1874 : vector<16xi1>, vector<16xf32>
      %broadcast_in_dim3A_1876 = vector.shape_cast %xor3A_1719 : vector<16xi32> to vector<16x1xi32>
      %gather3A_1877 = vector.shape_cast %broadcast_in_dim3A_1876 : vector<16x1xi32> to vector<16xi32>
      %gather3A_1878 = tpu.dynamic_gather %select_n3A_1668[%gather3A_1877] in [0] : vector<16xf32>, vector<16xi32> -> vector<16xf32>
      %select_n3A_1879 = arith.select %eq3A_1803, %select_n3A_1700, %gather3A_1878 : vector<16xi1>, vector<16xf32>
      %broadcast_in_dim3A_1880 = vector.shape_cast %xor3A_1719 : vector<16xi32> to vector<16x1xi32>
      %gather3A_1881 = vector.shape_cast %broadcast_in_dim3A_1880 : vector<16x1xi32> to vector<16xi32>
      %gather3A_1882 = tpu.dynamic_gather %select_n3A_1672[%gather3A_1881] in [0] : vector<16xf32>, vector<16xi32> -> vector<16xf32>
      %select_n3A_1883 = arith.select %eq3A_1810, %select_n3A_1704, %gather3A_1882 : vector<16xi1>, vector<16xf32>
      %broadcast_in_dim3A_1884 = vector.shape_cast %xor3A_1719 : vector<16xi32> to vector<16x1xi32>
      %gather3A_1885 = vector.shape_cast %broadcast_in_dim3A_1884 : vector<16x1xi32> to vector<16xi32>
      %gather3A_1886 = tpu.dynamic_gather %select_n3A_1676[%gather3A_1885] in [0] : vector<16xf32>, vector<16xi32> -> vector<16xf32>
      %select_n3A_1887 = arith.select %eq3A_1817, %select_n3A_1708, %gather3A_1886 : vector<16xi1>, vector<16xf32>
      %broadcast_in_dim3A_1888 = vector.shape_cast %xor3A_1719 : vector<16xi32> to vector<16x1xi32>
      %gather3A_1889 = vector.shape_cast %broadcast_in_dim3A_1888 : vector<16x1xi32> to vector<16xi32>
      %gather3A_1890 = tpu.dynamic_gather %select_n3A_1680[%gather3A_1889] in [0] : vector<16xf32>, vector<16xi32> -> vector<16xf32>
      %select_n3A_1891 = arith.select %eq3A_1824, %select_n3A_1712, %gather3A_1890 : vector<16xi1>, vector<16xf32>
      %broadcast_in_dim3A_1892 = vector.shape_cast %xor3A_1719 : vector<16xi32> to vector<16x1xi32>
      %gather3A_1893 = vector.shape_cast %broadcast_in_dim3A_1892 : vector<16x1xi32> to vector<16xi32>
      %gather3A_1894 = tpu.dynamic_gather %select_n3A_1684[%gather3A_1893] in [0] : vector<16xf32>, vector<16xi32> -> vector<16xf32>
      %select_n3A_1895 = arith.select %eq3A_1831, %select_n3A_1716, %gather3A_1894 : vector<16xi1>, vector<16xf32>
      %mul3A_1896 = arith.constant 16 : i32
      %mul3A_1897 = arith.muli %scan3A_11, %mul3A_1896 : i32
      %swap3A = arith.constant 0 : i32
      %swap3A_1898 = arith.index_cast %swap3A : i32 to index
      %swap3A_1899 = arith.index_cast %mul3A_1897 : i32 to index
      %swap3A_1900 = tpu.vector_load %arg5[%swap3A_1898, %swap3A_1899] {strides = array<i32>} : memref<16x256xf32, #tpu.memory_space<vmem>>, vector<1x16xf32>,
      %swap3A_1901 = vector.shape_cast %swap3A_1900 : vector<1x16xf32> to vector<16xf32>
      %swap3A_1902 = vector.shape_cast %select_n3A_1835 : vector<16xf32> to vector<1x16xf32>
      tpu.vector_store %arg5[%swap3A_1898, %swap3A_1899], %swap3A_1902 {strides = array<i32>} : memref<16x256xf32, #tpu.memory_space<vmem>>, vector<1x16xf32>,
      %mul3A_1903 = arith.constant 16 : i32
      %mul3A_1904 = arith.muli %scan3A_11, %mul3A_1903 : i32
      %swap3A_1905 = arith.constant 1 : i32
      %swap3A_1906 = arith.index_cast %swap3A_1905 : i32 to index
      %swap3A_1907 = arith.index_cast %mul3A_1904 : i32 to index
      %swap3A_1908 = tpu.vector_load %arg5[%swap3A_1906, %swap3A_1907] {strides = array<i32>} : memref<16x256xf32, #tpu.memory_space<vmem>>, vector<1x16xf32>,
      %swap3A_1909 = vector.shape_cast %swap3A_1908 : vector<1x16xf32> to vector<16xf32>
      %swap3A_1910 = vector.shape_cast %select_n3A_1839 : vector<16xf32> to vector<1x16xf32>
      tpu.vector_store %arg5[%swap3A_1906, %swap3A_1907], %swap3A_1910 {strides = array<i32>} : memref<16x256xf32, #tpu.memory_space<vmem>>, vector<1x16xf32>,
      %mul3A_1911 = arith.constant 16 : i32
      %mul3A_1912 = arith.muli %scan3A_11, %mul3A_1911 : i32
      %swap3A_1913 = arith.constant 2 : i32
      %swap3A_1914 = arith.index_cast %swap3A_1913 : i32 to index
      %swap3A_1915 = arith.index_cast %mul3A_1912 : i32 to index
      %swap3A_1916 = tpu.vector_load %arg5[%swap3A_1914, %swap3A_1915] {strides = array<i32>} : memref<16x256xf32, #tpu.memory_space<vmem>>, vector<1x16xf32>,
      %swap3A_1917 = vector.shape_cast %swap3A_1916 : vector<1x16xf32> to vector<16xf32>
      %swap3A_1918 = vector.shape_cast %select_n3A_1843 : vector<16xf32> to vector<1x16xf32>
      tpu.vector_store %arg5[%swap3A_1914, %swap3A_1915], %swap3A_1918 {strides = array<i32>} : memref<16x256xf32, #tpu.memory_space<vmem>>, vector<1x16xf32>,
      %mul3A_1919 = arith.constant 16 : i32
      %mul3A_1920 = arith.muli %scan3A_11, %mul3A_1919 : i32
      %swap3A_1921 = arith.constant 3 : i32
      %swap3A_1922 = arith.index_cast %swap3A_1921 : i32 to index
      %swap3A_1923 = arith.index_cast %mul3A_1920 : i32 to index
      %swap3A_1924 = tpu.vector_load %arg5[%swap3A_1922, %swap3A_1923] {strides = array<i32>} : memref<16x256xf32, #tpu.memory_space<vmem>>, vector<1x16xf32>,
      %swap3A_1925 = vector.shape_cast %swap3A_1924 : vector<1x16xf32> to vector<16xf32>
      %swap3A_1926 = vector.shape_cast %select_n3A_1847 : vector<16xf32> to vector<1x16xf32>
      tpu.vector_store %arg5[%swap3A_1922, %swap3A_1923], %swap3A_1926 {strides = array<i32>} : memref<16x256xf32, #tpu.memory_space<vmem>>, vector<1x16xf32>,
      %mul3A_1927 = arith.constant 16 : i32
      %mul3A_1928 = arith.muli %scan3A_11, %mul3A_1927 : i32
      %swap3A_1929 = arith.constant 4 : i32
      %swap3A_1930 = arith.index_cast %swap3A_1929 : i32 to index
      %swap3A_1931 = arith.index_cast %mul3A_1928 : i32 to index
      %swap3A_1932 = tpu.vector_load %arg5[%swap3A_1930, %swap3A_1931] {strides = array<i32>} : memref<16x256xf32, #tpu.memory_space<vmem>>, vector<1x16xf32>,
      %swap3A_1933 = vector.shape_cast %swap3A_1932 : vector<1x16xf32> to vector<16xf32>
      %swap3A_1934 = vector.shape_cast %select_n3A_1851 : vector<16xf32> to vector<1x16xf32>
      tpu.vector_store %arg5[%swap3A_1930, %swap3A_1931], %swap3A_1934 {strides = array<i32>} : memref<16x256xf32, #tpu.memory_space<vmem>>, vector<1x16xf32>,
      %mul3A_1935 = arith.constant 16 : i32
      %mul3A_1936 = arith.muli %scan3A_11, %mul3A_1935 : i32
      %swap3A_1937 = arith.constant 5 : i32
      %swap3A_1938 = arith.index_cast %swap3A_1937 : i32 to index
      %swap3A_1939 = arith.index_cast %mul3A_1936 : i32 to index
      %swap3A_1940 = tpu.vector_load %arg5[%swap3A_1938, %swap3A_1939] {strides = array<i32>} : memref<16x256xf32, #tpu.memory_space<vmem>>, vector<1x16xf32>,
      %swap3A_1941 = vector.shape_cast %swap3A_1940 : vector<1x16xf32> to vector<16xf32>
      %swap3A_1942 = vector.shape_cast %select_n3A_1855 : vector<16xf32> to vector<1x16xf32>
      tpu.vector_store %arg5[%swap3A_1938, %swap3A_1939], %swap3A_1942 {strides = array<i32>} : memref<16x256xf32, #tpu.memory_space<vmem>>, vector<1x16xf32>,
      %mul3A_1943 = arith.constant 16 : i32
      %mul3A_1944 = arith.muli %scan3A_11, %mul3A_1943 : i32
      %swap3A_1945 = arith.constant 6 : i32
      %swap3A_1946 = arith.index_cast %swap3A_1945 : i32 to index
      %swap3A_1947 = arith.index_cast %mul3A_1944 : i32 to index
      %swap3A_1948 = tpu.vector_load %arg5[%swap3A_1946, %swap3A_1947] {strides = array<i32>} : memref<16x256xf32, #tpu.memory_space<vmem>>, vector<1x16xf32>,
      %swap3A_1949 = vector.shape_cast %swap3A_1948 : vector<1x16xf32> to vector<16xf32>
      %swap3A_1950 = vector.shape_cast %select_n3A_1859 : vector<16xf32> to vector<1x16xf32>
      tpu.vector_store %arg5[%swap3A_1946, %swap3A_1947], %swap3A_1950 {strides = array<i32>} : memref<16x256xf32, #tpu.memory_space<vmem>>, vector<1x16xf32>,
      %mul3A_1951 = arith.constant 16 : i32
      %mul3A_1952 = arith.muli %scan3A_11, %mul3A_1951 : i32
      %swap3A_1953 = arith.constant 7 : i32
      %swap3A_1954 = arith.index_cast %swap3A_1953 : i32 to index
      %swap3A_1955 = arith.index_cast %mul3A_1952 : i32 to index
      %swap3A_1956 = tpu.vector_load %arg5[%swap3A_1954, %swap3A_1955] {strides = array<i32>} : memref<16x256xf32, #tpu.memory_space<vmem>>, vector<1x16xf32>,
      %swap3A_1957 = vector.shape_cast %swap3A_1956 : vector<1x16xf32> to vector<16xf32>
      %swap3A_1958 = vector.shape_cast %select_n3A_1863 : vector<16xf32> to vector<1x16xf32>
      tpu.vector_store %arg5[%swap3A_1954, %swap3A_1955], %swap3A_1958 {strides = array<i32>} : memref<16x256xf32, #tpu.memory_space<vmem>>, vector<1x16xf32>,
      %mul3A_1959 = arith.constant 16 : i32
      %mul3A_1960 = arith.muli %scan3A_11, %mul3A_1959 : i32
      %swap3A_1961 = arith.constant 8 : i32
      %swap3A_1962 = arith.index_cast %swap3A_1961 : i32 to index
      %swap3A_1963 = arith.index_cast %mul3A_1960 : i32 to index
      %swap3A_1964 = tpu.vector_load %arg5[%swap3A_1962, %swap3A_1963] {strides = array<i32>} : memref<16x256xf32, #tpu.memory_space<vmem>>, vector<1x16xf32>,
      %swap3A_1965 = vector.shape_cast %swap3A_1964 : vector<1x16xf32> to vector<16xf32>
      %swap3A_1966 = vector.shape_cast %select_n3A_1867 : vector<16xf32> to vector<1x16xf32>
      tpu.vector_store %arg5[%swap3A_1962, %swap3A_1963], %swap3A_1966 {strides = array<i32>} : memref<16x256xf32, #tpu.memory_space<vmem>>, vector<1x16xf32>,
      %mul3A_1967 = arith.constant 16 : i32
      %mul3A_1968 = arith.muli %scan3A_11, %mul3A_1967 : i32
      %swap3A_1969 = arith.constant 9 : i32
      %swap3A_1970 = arith.index_cast %swap3A_1969 : i32 to index
      %swap3A_1971 = arith.index_cast %mul3A_1968 : i32 to index
      %swap3A_1972 = tpu.vector_load %arg5[%swap3A_1970, %swap3A_1971] {strides = array<i32>} : memref<16x256xf32, #tpu.memory_space<vmem>>, vector<1x16xf32>,
      %swap3A_1973 = vector.shape_cast %swap3A_1972 : vector<1x16xf32> to vector<16xf32>
      %swap3A_1974 = vector.shape_cast %select_n3A_1871 : vector<16xf32> to vector<1x16xf32>
      tpu.vector_store %arg5[%swap3A_1970, %swap3A_1971], %swap3A_1974 {strides = array<i32>} : memref<16x256xf32, #tpu.memory_space<vmem>>, vector<1x16xf32>,
      %mul3A_1975 = arith.constant 16 : i32
      %mul3A_1976 = arith.muli %scan3A_11, %mul3A_1975 : i32
      %swap3A_1977 = arith.constant 10 : i32
      %swap3A_1978 = arith.index_cast %swap3A_1977 : i32 to index
      %swap3A_1979 = arith.index_cast %mul3A_1976 : i32 to index
      %swap3A_1980 = tpu.vector_load %arg5[%swap3A_1978, %swap3A_1979] {strides = array<i32>} : memref<16x256xf32, #tpu.memory_space<vmem>>, vector<1x16xf32>,
      %swap3A_1981 = vector.shape_cast %swap3A_1980 : vector<1x16xf32> to vector<16xf32>
      %swap3A_1982 = vector.shape_cast %select_n3A_1875 : vector<16xf32> to vector<1x16xf32>
      tpu.vector_store %arg5[%swap3A_1978, %swap3A_1979], %swap3A_1982 {strides = array<i32>} : memref<16x256xf32, #tpu.memory_space<vmem>>, vector<1x16xf32>,
      %mul3A_1983 = arith.constant 16 : i32
      %mul3A_1984 = arith.muli %scan3A_11, %mul3A_1983 : i32
      %swap3A_1985 = arith.constant 11 : i32
      %swap3A_1986 = arith.index_cast %swap3A_1985 : i32 to index
      %swap3A_1987 = arith.index_cast %mul3A_1984 : i32 to index
      %swap3A_1988 = tpu.vector_load %arg5[%swap3A_1986, %swap3A_1987] {strides = array<i32>} : memref<16x256xf32, #tpu.memory_space<vmem>>, vector<1x16xf32>,
      %swap3A_1989 = vector.shape_cast %swap3A_1988 : vector<1x16xf32> to vector<16xf32>
      %swap3A_1990 = vector.shape_cast %select_n3A_1879 : vector<16xf32> to vector<1x16xf32>
      tpu.vector_store %arg5[%swap3A_1986, %swap3A_1987], %swap3A_1990 {strides = array<i32>} : memref<16x256xf32, #tpu.memory_space<vmem>>, vector<1x16xf32>,
      %mul3A_1991 = arith.constant 16 : i32
      %mul3A_1992 = arith.muli %scan3A_11, %mul3A_1991 : i32
      %swap3A_1993 = arith.constant 12 : i32
      %swap3A_1994 = arith.index_cast %swap3A_1993 : i32 to index
      %swap3A_1995 = arith.index_cast %mul3A_1992 : i32 to index
      %swap3A_1996 = tpu.vector_load %arg5[%swap3A_1994, %swap3A_1995] {strides = array<i32>} : memref<16x256xf32, #tpu.memory_space<vmem>>, vector<1x16xf32>,
      %swap3A_1997 = vector.shape_cast %swap3A_1996 : vector<1x16xf32> to vector<16xf32>
      %swap3A_1998 = vector.shape_cast %select_n3A_1883 : vector<16xf32> to vector<1x16xf32>
      tpu.vector_store %arg5[%swap3A_1994, %swap3A_1995], %swap3A_1998 {strides = array<i32>} : memref<16x256xf32, #tpu.memory_space<vmem>>, vector<1x16xf32>,
      %mul3A_1999 = arith.constant 16 : i32
      %mul3A_2000 = arith.muli %scan3A_11, %mul3A_1999 : i32
      %swap3A_2001 = arith.constant 13 : i32
      %swap3A_2002 = arith.index_cast %swap3A_2001 : i32 to index
      %swap3A_2003 = arith.index_cast %mul3A_2000 : i32 to index
      %swap3A_2004 = tpu.vector_load %arg5[%swap3A_2002, %swap3A_2003] {strides = array<i32>} : memref<16x256xf32, #tpu.memory_space<vmem>>, vector<1x16xf32>,
      %swap3A_2005 = vector.shape_cast %swap3A_2004 : vector<1x16xf32> to vector<16xf32>
      %swap3A_2006 = vector.shape_cast %select_n3A_1887 : vector<16xf32> to vector<1x16xf32>
      tpu.vector_store %arg5[%swap3A_2002, %swap3A_2003], %swap3A_2006 {strides = array<i32>} : memref<16x256xf32, #tpu.memory_space<vmem>>, vector<1x16xf32>,
      %mul3A_2007 = arith.constant 16 : i32
      %mul3A_2008 = arith.muli %scan3A_11, %mul3A_2007 : i32
      %swap3A_2009 = arith.constant 14 : i32
      %swap3A_2010 = arith.index_cast %swap3A_2009 : i32 to index
      %swap3A_2011 = arith.index_cast %mul3A_2008 : i32 to index
      %swap3A_2012 = tpu.vector_load %arg5[%swap3A_2010, %swap3A_2011] {strides = array<i32>} : memref<16x256xf32, #tpu.memory_space<vmem>>, vector<1x16xf32>,
      %swap3A_2013 = vector.shape_cast %swap3A_2012 : vector<1x16xf32> to vector<16xf32>
      %swap3A_2014 = vector.shape_cast %select_n3A_1891 : vector<16xf32> to vector<1x16xf32>
      tpu.vector_store %arg5[%swap3A_2010, %swap3A_2011], %swap3A_2014 {strides = array<i32>} : memref<16x256xf32, #tpu.memory_space<vmem>>, vector<1x16xf32>,
      %mul3A_2015 = arith.constant 16 : i32
      %mul3A_2016 = arith.muli %scan3A_11, %mul3A_2015 : i32
      %swap3A_2017 = arith.constant 15 : i32
      %swap3A_2018 = arith.index_cast %swap3A_2017 : i32 to index
      %swap3A_2019 = arith.index_cast %mul3A_2016 : i32 to index
      %swap3A_2020 = tpu.vector_load %arg5[%swap3A_2018, %swap3A_2019] {strides = array<i32>} : memref<16x256xf32, #tpu.memory_space<vmem>>, vector<1x16xf32>,
      %swap3A_2021 = vector.shape_cast %swap3A_2020 : vector<1x16xf32> to vector<16xf32>
      %swap3A_2022 = vector.shape_cast %select_n3A_1895 : vector<16xf32> to vector<1x16xf32>
      tpu.vector_store %arg5[%swap3A_2018, %swap3A_2019], %swap3A_2022 {strides = array<i32>} : memref<16x256xf32, #tpu.memory_space<vmem>>, vector<1x16xf32>,
      scf.yield %add3A_878, %add3A_898, %add3A_918, %add3A_938, %add3A_958, %add3A_978, %add3A_998, %add3A_1018, %add3A_1038, %add3A_1058, %add3A_1078, %add3A_1098, %add3A_1118, %add3A_1138, %add3A_1158, %add3A_1178 : vector<16xf32>, vector<16xf32>, vector<16xf32>, vector<16xf32>, vector<16xf32>, vector<16xf32>, vector<16xf32>, vector<16xf32>, vector<16xf32>, vector<16xf32>, vector<16xf32>, vector<16xf32>, vector<16xf32>, vector<16xf32>, vector<16xf32>, vector<16xf32>
    }
    %scan3A_10 = arith.constant 16 : i32
    "tpu.region"() ({
      %run_scoped3A = tpu.sem_alloc : memref<!tpu.dma_semaphore, #tpu.memory_space<semaphore_mem>>
      %dma_start3A = arith.constant 0 : i32
      %dma_start3A_11 = tpu.memref_slice %arg3[%mul3A_2, %dma_start3A] : memref<512x256xf32, #tpu.memory_space<hbm>> -> memref<16x256xf32, #tpu.memory_space<hbm>>
      %dma_start3A_12 = arith.constant 0 : i32
      %dma_start3A_13 = tpu.memref_slice %arg3[%mul3A_2, %dma_start3A_12] : memref<512x256xf32, #tpu.memory_space<hbm>> -> memref<16x256xf32, #tpu.memory_space<hbm>>
      tpu.enqueue_dma source(%arg5 : memref<16x256xf32, #tpu.memory_space<vmem>>) target(%dma_start3A_13 : memref<16x256xf32, #tpu.memory_space<hbm>>) target_semaphore(%run_scoped3A : memref<!tpu.dma_semaphore, #tpu.memory_space<semaphore_mem>>)
      %dma_wait3A = arith.constant 0 : i32
      %dma_wait3A_14 = tpu.memref_slice %arg3[%mul3A_2, %dma_wait3A] : memref<512x256xf32, #tpu.memory_space<hbm>> -> memref<16x256xf32, #tpu.memory_space<hbm>>
      %dma_wait3A_15 = arith.constant 0 : i32
      %dma_wait3A_16 = tpu.memref_slice %arg3[%mul3A_2, %dma_wait3A_15] : memref<512x256xf32, #tpu.memory_space<hbm>> -> memref<16x256xf32, #tpu.memory_space<hbm>>
      tpu.wait_dma2 semaphore(%run_scoped3A : memref<!tpu.dma_semaphore, #tpu.memory_space<semaphore_mem>>) src(%arg5 : memref<16x256xf32, #tpu.memory_space<vmem>>) dst(%dma_wait3A_16 : memref<16x256xf32, #tpu.memory_space<hbm>>)
      tpu.yield
    }) : () -> ()
    return
  }
}

</mosaic_0001>

<sc_bundles>
// kernel: kernel.3.cloned.1.call-start
scs
__scs_entry_jumppad:
0x0: {  	(pc) =	sbr.rel $0x88, $3  }
0x1: {  	(tag) =	ssettag $0x0;
	lr =	simm.s32 $0x1  }
0x2: {  	[smem:$0x3FA0] =	sst lr;
	_ =	strace $0xD0000000  }
0x3: {  	_ = 	snop  }
0x4: {  	_ = 	snop  }
0x5: {  	_ = 	snop  }
0x6: {  	_ = 	snop  }
0x7: {  	_ = 	snop  }
__scs_overlays_trampoline_lowered:
0x8: {  	[smem:$0x3FAF] =	sst s0  }
0x9: {  	[smem:$0x3FB0] =	sst s1  }
0xa: {  	[smem:$0x3FB1] =	sst s2  }
0xb: {  	[smem:$0x3FB2] =	sst s3  }
0xc: {  	[smem:$0x3FB3] =	sst s4  }
0xd: {  	[smem:$0x3FB4] =	sst s5  }
0xe: {  	[smem:$0x3FB5] =	sst s6  }
0xf: {  	[smem:$0x3FB6] =	sst s7  }
0x10: {  	[smem:$0x3FB7] =	sst s8  }
0x11: {  	[smem:$0x3FB8] =	sst s9;
	s0 =	simm.s32 @!p0 $0x0  }
0x12: {  	s1 =	sld [smem:$0x3F9E];
	s0 =	simm.s32 @p0 $0x1  }
0x13: {  	[smem:$0x3FB9] =	sst s0;
	s0 =	simm.s32 @!p1 $0x0  }
0x14: {  	s2 =	sld [smem:$0x3F9D];
	s0 =	simm.s32 @p1 $0x1  }
0x15: {  	[smem:$0x3FBA] =	sst s0;
	s0 =	simm.s32 @!p2 $0x0  }
0x16: {  	s3 =	sld [smem:$0x3FDB];
	s0 =	simm.s32 @p2 $0x1  }
0x17: {  	s4 =	simm.s32 $0x1BF5;
	[smem:$0x3FBC] =	sst s0  }
0x18: {  	s0 =	sld [smem:$0x3F9F];
	_ =	swait.ge [sflag:s4], $0x0  }
0x19: {  	s7 =	sld [smem:$0x3FA0]  }
0x1a: {  	s8 =	sadd.s32 $0xFFFFE003, lr  }
0x1b: {  	s9 =	sadd.s32 $0xFFFFFEF7, lr;
	s5 =	simm.s32 $0xFFFFFFFF;
	p2 =	slt.u32 s8, $0xFFFFF086  }
0x1c: {  	p1 =	slt.u32 s9, $0xF7A;
	s5 =	simm.s32 @!p2 $0x0  }
0x1d: {  	s5 =	simm.s32 @p1 $0x1;
	p0 =	seq.s32 s7, s2  }
0x1e: {  	s7 =	smul.u32 @!p0 $0xF7A, s2;
	p2 =	seq.s32 @!p0 s5, $0x0  }
0x1f: {  	s9 =	smul.u32 $0xF7A, s1;
	s8 =	simm.s32 @!p0 $0x1BF5;
	p2 =	por !p2, p0  }
0x20: {  	[sflag:s8] =	ssyncset.s32 @!p0 $0xFFFFF086;
	s6 =	sadd.s32 @!p0 s3, s7;
	s7 =	simm.s32 @!p0 $0x108  }
0x21: {  	s3 =	sadd.s32 s3, s9;
	s6 =	sadd.s32 @!p0 $0x88, s6;
	s7 =	simm.s32 @p2 $0x1082  }
0x22: {  	[simem:s7], [sflag:s8] =	dma.local @!p0 [hbm:s6], $0xF7A  }
0x23: {  	s9 =	sor.u32 $0xD0000000, s2;
	s6 =	simm.s32 $0x108;
	_ =	swait.ge @!p0 [sflag:s8], $0x0  }
0x24: {  	s3 =	sadd.s32 $0x88, s3;
	s6 =	simm.s32 @!p1 $0x1082;
	[sflag:s4] =	ssyncset.s32 $0xFFFFF086  }
0x25: {  	[simem:s6], [sflag:s4] =	dma.local [hbm:s3], $0xF7A  }
0x26: {  	[smem:$0x3FA0] =	sst s1;
	(tag) =	ssettag s2;
	_ =	strace s9  }
0x27: {  	s1 =	sld [smem:$0x3FB0]  }
0x28: {  	s2 =	sld [smem:$0x3FB1]  }
0x29: {  	s4 =	sld [smem:$0x3FB3]  }
0x2a: {  	p0 =	seq.s32 s5, $0x0;
	s5 =	sld [smem:$0x3FB4]  }
0x2b: {  	s6 =	sld [smem:$0x3FB5]  }
0x2c: {  	s7 =	sld [smem:$0x3FB6]  }
0x2d: {  	s3 =	simm.s32 $0x108;
	s8 =	sld [smem:$0x3FB7]  }
0x2e: {  	s3 =	simm.s32 @!p0 $0x1082;
	s9 =	sld [smem:$0x3FB8]  }
0x2f: {  	lr =	sadd.s32 s0, s3;
	s0 =	sld [smem:$0x3FAF]  }
0x30: {  	s3 =	sld [smem:$0x3FB2]  }
0x31: {  	[smem:$0x3FBB] =	sst s10  }
0x32: {  	s10 =	sld [smem:$0x3FB9];
	_ =	sdelay $0x3  }
0x33: {  	p0 =	seq.s32 s10, $0x1;
	s10 =	sld [smem:$0x3FBB];
	_ =	sdelay $0x3  }
0x34: {  	[smem:$0x3FBB] =	sst s10  }
0x35: {  	s10 =	sld [smem:$0x3FBA];
	_ =	sdelay $0x3  }
0x36: {  	p1 =	seq.s32 s10, $0x1;
	s10 =	sld [smem:$0x3FBB];
	_ =	sdelay $0x3  }
0x37: {  	[smem:$0x3FBB] =	sst s10  }
0x38: {  	s10 =	sld [smem:$0x3FBC]  }
0x39: {  	_ = 	snop;
	(pc) =	sbr.ind lr, $3  }
0x3a: {  	_ = 	snop  }
0x3b: {  	_ = 	snop  }
0x3c: {  	p2 =	seq.s32 s10, $0x1;
	s10 =	sld [smem:$0x3FBB]  }
0x3d: {  	_ =	shalt  }
0x3e: {  	_ =	shalt  }
0x3f: {  	_ =	shalt  }
0x40: {  	_ =	shalt  }
0x41: {  	_ =	shalt  }
0x42: {  	_ =	shalt  }
0x43: {  	_ =	shalt  }
0x44: {  	_ =	shalt  }
0x45: {  	_ =	shalt  }
0x46: {  	_ =	shalt  }
0x47: {  	_ =	shalt  }
0x48: {  	_ =	shalt  }
0x49: {  	_ =	shalt  }
0x4a: {  	_ =	shalt  }
0x4b: {  	_ =	shalt  }
0x4c: {  	_ =	shalt  }
0x4d: {  	_ =	shalt  }
0x4e: {  	_ =	shalt  }
0x4f: {  	_ =	shalt  }
0x50: {  	_ =	shalt  }
0x51: {  	_ =	shalt  }
0x52: {  	_ =	shalt  }
0x53: {  	_ =	shalt  }
0x54: {  	_ =	shalt  }
0x55: {  	_ =	shalt  }
0x56: {  	_ =	shalt  }
0x57: {  	_ =	shalt  }
0x58: {  	_ =	shalt  }
0x59: {  	_ =	shalt  }
0x5a: {  	_ =	shalt  }
0x5b: {  	_ =	shalt  }
0x5c: {  	_ =	shalt  }
0x5d: {  	_ =	shalt  }
0x5e: {  	_ =	shalt  }
0x5f: {  	_ =	shalt  }
0x60: {  	_ =	shalt  }
0x61: {  	_ =	shalt  }
0x62: {  	_ =	shalt  }
0x63: {  	_ =	shalt  }
0x64: {  	_ =	shalt  }
0x65: {  	_ =	shalt  }
0x66: {  	_ =	shalt  }
0x67: {  	_ =	shalt  }
0x68: {  	_ =	shalt  }
0x69: {  	_ =	shalt  }
0x6a: {  	_ =	shalt  }
0x6b: {  	_ =	shalt  }
0x6c: {  	_ =	shalt  }
0x6d: {  	_ =	shalt  }
0x6e: {  	_ =	shalt  }
0x6f: {  	_ =	shalt  }
0x70: {  	_ =	shalt  }
0x71: {  	_ =	shalt  }
0x72: {  	_ =	shalt  }
0x73: {  	_ =	shalt  }
0x74: {  	_ =	shalt  }
0x75: {  	_ =	shalt  }
0x76: {  	_ =	shalt  }
0x77: {  	_ =	shalt  }
0x78: {  	_ =	shalt  }
0x79: {  	_ =	shalt  }
0x7a: {  	_ =	shalt  }
0x7b: {  	_ =	shalt  }
0x7c: {  	_ =	shalt  }
0x7d: {  	_ =	shalt  }
0x7e: {  	_ =	shalt  }
0x7f: {  	_ =	shalt  }
0x80: {  	_ =	shalt  }
0x81: {  	_ =	shalt  }
0x82: {  	_ =	shalt  }
0x83: {  	_ =	shalt  }
0x84: {  	_ =	shalt  }
0x85: {  	_ =	shalt  }
0x86: {  	_ =	shalt  }
0x87: {  	_ =	shalt  }
.Lfunc_end0:
.L_simem_size_0:
called_computation_lowered:
.L_overlay_start_0:
0x88: {  	s2 =	sld [smem:$0x3FD9]  }
0x89: {  	s3 =	sld [smem:$0x3FFE];
	_ =	sdelay $0x1  }
0x8a: {  	s1 =	srdreg.scid  }
0x8b: {  	s0 =	sand.u32 $0x1, s1  }
0x8c: {  	s17 =	sshll.u32 s0, $0xA;
	s2 =	sadd.s32 s3, s2  }
0x8d: {  	s2 =	sadd.s32 s2, s17  }
0x8e: {  	[smem:$0x3FC7] =	sst s2  }
0x8f: {  	_ = 	snop  }
0x90: {  	s2 =	sld [smem:$0x3FD0];
	(tm) =	ssettm $0x1  }
0x91: {  	s18 =	sld [smem:$0x3FFB];
	_ =	sdelay $0x3  }
0x92: {  	_ =	strace s18  }
0x93: {  	s3 =	sld [smem:$0x3FFC];
	_ =	sdelay $0x3  }
0x94: {  	_ =	strace s3  }
0x95: {  	s3 =	sld [smem:$0x3FFD];
	_ =	sdelay $0x3  }
0x96: {  	_ =	strace s3  }
0x97: {  	_ =	strace $0x8FFFFFFF  }
0x98: {  	s19 =	sld [smem:$0x3FDB];
	_ =	sdelay $0x1  }
0x99: {  	s4 =	simm.s32 $_scs_section_size  }
0x9a: {  	s5 =	simm.s32 $_size__tile_overlayer_lowered;
	s6 =	simm.s32 $_tile_overlayer_lowered  }
0x9b: {  	s22 =	simm.s32 $0x1BFF;
	s21 =	sshll.u32 s6, $0x1;
	s3 =	sadd.s32 s4, s19  }
0x9c: {  	s7 =	simm.s32 $0x0;
	s20 =	sshll.u32 s5, $0x1;
	s5 =	sadd.s32 s21, s3  }
0x9d: {  	[timem:s7], [sflag:s22] =	dma.local [hbm:s5], s20  }
0x9e: {  	_ =	swait.ge [sflag:s22], s20  }
0x9f: {  	s4 =	ssub.s32 $0x0, s20;
	[sflag:s22] =	ssyncset.done $0x0  }
0xa0: {  	[sflag:s22] =	ssyncadd.s32 s4;
	_ =	sdelay $0x1  }
0xa1: {  	s23 =	simm.s32 $0x1B8B  }
0xa2: {  	_ =	swait.ge [sflag:s23], $0x1  }
0xa3: {  	[sflag:s23] =	ssyncset.done $0x0  }
0xa4: {  	s25 =	simm.s32 $0x1B8E;
	s24 =	sld [smem:$0x3FFE];
	[sflag:s23] =	ssyncadd.s32 $0xFFFFFFFF  }
0xa5: {  	s26 =	simm.s32 $execute0_lowered;
	[smem:$0x3FD2] =	sst s25  }
0xa6: {  	s5 =	sshll.u32 s26, $0x1;
	_ =	strace $0x80000046;
	[dreg:$0x1] =	wrdreg $0xFFFFFFFF  }
0xa7: {  	s28 =	simm.s32 $_size_execute0_lowered;
	s3 =	sadd.s32 s3, s5;
	[dreg:$0x0] =	wrdreg $0x0  }
0xa8: {  	s5 =	sshll.u32 s28, $0x1;
	[dreg:$0x2] =	wrdreg s3  }
0xa9: {  	[dreg:$0x3] =	wrdreg s5  }
0xaa: {  	[dreg:$0x4] =	wrdreg $0xC0  }
0xab: {  	_ =	task [dreg:s7], $0x5FFFF  }
0xac: {  	[dreg:$0x1] =	wrdreg $0xFFFFFFFF  }
0xad: {  	[dreg:$0x0] =	wrdreg $0x60  }
0xae: {  	[dreg:$0x2] =	wrdreg s2  }
0xaf: {  	[dreg:$0x3] =	wrdreg s24  }
0xb0: {  	[dreg:$0x4] =	wrdreg $0x9  }
0xb1: {  	_ =	task.clear_ibuf [dreg:s7], $0x5FFFF;
	_ =	strace $0x90000046  }
0xb2: {  	s29 =	simm.s32 $0x9;
	_ =	strace $0x80000048  }
0xb3: {  	_ =	swait.ge [sflag:s29], $0x1  }
0xb4: {  	[sflag:s29] =	ssyncadd.s32 $0xFFFFFFFF  }
0xb5: {  	_ =	strace $0x90000048  }
0xb6: {  	_ =	sfence  }
0xb7: {  	s30 =	sld [smem:$0x0];
	_ =	sdelay $0x2  }
0xb8: {  	s31 =	sshll.u32 s1, $0xD;
	s1 =	sshrl.u32 s1, $0x2  }
0xb9: {  	s3 =	sand.u32 $0x4000, s31;
	s1 =	sadd.s32 s1, s30  }
0xba: {  	s0 =	sor.u32 s3, s0;
	s1 =	sshll.u32 s1, $0x11  }
0xbb: {  	s0 =	sor.u32 s1, s0  }
0xbc: {  	s0 =	sadd.s32 $0x8F2B, s0  }
0xbd: {  	[sflag:s0] =	ssyncadd.remote.s32 $0x1  }
0xbe: {  	_ =	sfence.sel $0xFFFF  }
0xbf: {  	[dreg:$0x0] =	wrdreg $0xFFFFFFFF;
	(pc) =	sbr.abs _section_cstart, $3  }
0xc0: {  	[dreg:$0x1] =	wrdreg $0xFFFFFFFF  }
0xc1: {  	_ =	task.clear_ibuf [dreg:s7], $0x2FFFF;
	_ =	strace $0x9FFFFFFF  }
0xc2: {  	(tm) =	ssettm $0x7FFFFFFF  }
0xc3: {  	_ =	shalt  }
tec
execute0_lowered:
.L_overlay_start_1:
0x0: {  	(tag) =	ssettag $0x1  }
0x1: {  	v0 =	vimm.s32 $0xEFCDAB89  }
0x2: {  	vm0 =	vcmask $0xB08;
	vm1 =	vcmask $0x300;
	v1 =	vimm.s32 $0x67452301  }
0x3: {  	v2 =	vimm.s32 $0xDCFE98BA;
	v3 =	vimm.s32 $0x54761032;
	vm2 =	vcmask $0x700  }
0x4: {  	vm3 =	vcmask $0x3B38;
	v4 =	vimm.s32 $0xFEDCBA98;
	v5 =	vimm.s32 $0x76543210  }
0x5: {  	v0 =	vunpack.c.l.s4.s8 v0;
	vm0 =	vmor vm1, vm0;
	vm1 =	vcmask $0x1310  }
0x6: {  	v1 =	vunpack.c.l.s4.s8 v1;
	v2 =	vunpack.c.l.s4.s8 v2;
	v3 =	vunpack.c.l.s4.s8 v3  }
0x7: {  	v4 =	vunpack.c.l.s4.s8 v4;
	vm0 =	vmor vm0, vm1;
	vm1 =	vcmask $0x1B18  }
0x8: {  	v0 =	vunpack.c.0.s8.s32 v0;
	vm0 =	vmor vm0, vm1;
	vm1 =	vcmask $0x2320  }
0x9: {  	v1 =	vunpack.c.0.s8.s32 v1;
	vm0 =	vmor vm0, vm1;
	vm1 =	vcmask $0x2B28  }
0xa: {  	v4 =	vunpack.c.0.s8.s32 v4;
	vm0 =	vmor vm0, vm1;
	vm1 =	vcmask $0x3330  }
0xb: {  	v0 =	vcombine.low v1, v0;
	v1 =	vunpack.c.0.s8.s32 v2;
	v2 =	vunpack.c.0.s8.s32 v3  }
0xc: {  	s3 =	rddreg [dreg:$0x0];
	v3 =	vimm.s32 $0x32107654;
	vm0 =	vmor vm0, vm1;
	vm1 =	vcmask $0x1710  }
0xd: {  	s4 =	rddreg [dreg:$0x1];
	v3 =	vunpack.c.l.s4.s8 v3;
	v1 =	vcombine.low v2, v1;
	v2 =	vimm.s32 $0xBA98FEDC  }
0xe: {  	s0 =	rddreg [dreg:$0x2];
	s5 =	srdreg.scid;
	vm1 =	vmor vm2, vm1;
	vm2 =	vcmask $0x2720;
	v2 =	vunpack.c.l.s4.s8 v2  }
0xf: {  	s2 =	simm.s32 $0x0;
	s1 =	stileid.u32;
	s8 =	simm.s32 $0x0;
	v5 =	vunpack.c.l.s4.s8 v5;
	v4 =	vand.u32 $0xF, v4;
	vm1 =	vmor vm1, vm2  }
0x10: {  	s5 =	sand.u32 $0x1, s5;
	s6 =	sshll.u32 s1, $0xA;
	[smem:$0x7FF] =	sst s2;
	vm2 =	vcmask $0x3730;
	v3 =	vunpack.c.0.s8.s32 v3;
	v2 =	vunpack.c.0.s8.s32 v2  }
0x11: {  	s7 =	sshll.u32 s5, $0x9;
	s5 =	ssub.s32 $0x2, s5;
	_ =	strace $0x80000047;
	vm0 =	vmor vm0, vm3;
	vm3 =	vcmask $0xF00;
	vm1 =	vmor vm1, vm2  }
0x12: {  	s6 =	sor.u32 s7, s6;
	s31 =	sshrl.u32 s5, $0x1;
	s7 =	simm.s32 $0x1000;
	vm2 =	vcmask $0x2F20;
	v2 =	vcombine.low v3, v2;
	v3 =	vunpack.c.0.s8.s32 v5  }
0x13: {  	s4 =	sadd.s32 s6, s4;
	s5 =	ssub.s32 s5, s31;
	s3 =	sadd.s32 s3, s6;
	v0 =	vand.u32 $0xF, v0;
	v1 =	vand.u32 $0xF, v1;
	vm2 =	vmor vm3, vm2  }
0x14: {  	s6 =	simm.s32 $0x1;
	s4 =	sadd.s32 $0x400, s4;
	s5 =	smax.u32 s5, $0x1;
	vm3 =	vmmov $0xff;
	v2 =	vand.u32 $0xF, v2;
	v3 =	vcombine.low v4, v3  }
.LBB2_1:
0x15: {  	v4 =	vimm.f32 $0.0e+00  }
0x16: {  	v5 =	vimm.f32 $0.0e+00;
	v6 =	vimm.f32 $0.0e+00;
	v7 =	vimm.f32 $0.0e+00  }
0x17: {  	[tilespmem:s2], [sflag:$0x1] =	stream.linear.gather [hbm4b:s3+s2], $0x1000, $0x38;
	v8 =	vimm.f32 $0.0e+00;
	v9 =	vimm.f32 $0.0e+00;
	v10 =	vimm.f32 $0.0e+00;
	[tilespmem:$0x2000] =	vst v63  }
0x18: {  	v11 =	vimm.f32 $0.0e+00;
	v12 =	vimm.f32 $0.0e+00;
	v13 =	vimm.f32 $0.0e+00;
	_ =	swait.ge [sflag:s6], $0x1000  }
0x19: {  	v14 =	vimm.f32 $0.0e+00;
	v15 =	vimm.f32 $0.0e+00;
	v16 =	vimm.f32 $0.0e+00;
	[sflag:s6] =	ssyncset.done $0x0  }
0x1a: {  	s9 =	simm.s32 $0x0;
	s10 =	simm.s32 $0x0;
	v17 =	vimm.f32 $0.0e+00;
	v18 =	vimm.f32 $0.0e+00;
	v19 =	vimm.f32 $0.0e+00;
	[sflag:s6] =	ssyncadd.s32 $0xFFFFF000  }
.LBB2_2:
0x1b: {  	s11 =	sand.u32 $0xFFFFFC00, s9;
	s30 =	sand.u32 $0x70, s10;
	s12 =	sand.u32 $0x400, s9  }
0x1c: {  	s13 =	sadd.s32 s11, s10;
	s11 =	sor.u32 s30, s12  }
0x1d: {  	s31 =	sor.u32 s10, s9;
	v23 =	vld [tilespmem:s11+$0x100]  }
0x1e: {  	s16 =	sor.u32 $0x380, s31;
	v26 =	vld [tilespmem:s11+$0x300]  }
0x1f: {  	s12 =	sor.u32 $0xB80, s31;
	v27 =	vld [tilespmem:s16+$0x0]  }
0x20: {  	v30 =	vld [tilespmem:s12+$0x0]  }
0x21: {  	v32 =	vld [tilespmem:s11+$0xB00]  }
0x22: {  	v33 =	vld [tilespmem:s11+$0x900]  }
0x23: {  	s18 =	sor.u32 $0x180, s13;
	v34 =	vld [tilespmem:s11+$0xA00]  }
0x24: {  	s19 =	sor.u32 $0x80, s13;
	v24 =	vld [tilespmem:s18+$0x0]  }
0x25: {  	s14 =	sor.u32 $0x980, s13;
	v22 =	vld [tilespmem:s19+$0x0]  }
0x26: {  	s17 =	sor.u32 $0x280, s13;
	s15 =	sor.u32 $0x880, s13;
	s13 =	sor.u32 $0xA80, s13;
	v29 =	vld [tilespmem:s14+$0x0]  }
0x27: {  	v31 =	vld [tilespmem:s13+$0x0]  }
0x28: {  	v25 =	vld [tilespmem:s17+$0x0]  }
0x29: {  	v28 =	vld [tilespmem:s15+$0x0];
	v20 =	vperm.xlane v24, v0  }
0x2a: {  	v35 =	vld [tilespmem:s11+$0x200];
	v21 =	vperm.xlane v30, v0  }
0x2b: {  	v36 =	vld [tilespmem:s11+$0x800];
	v37 =	vperm.xlane v22, v0;
	v38 =	vsel vm0, v23, v20;
	v20 =	vperm.xlane v27, v0  }
0x2c: {  	v39 =	vperm.xlane v29, v0;
	v40 =	vperm.xlane v31, v0;
	v41 =	vsel vm0, v32, v21  }
0x2d: {  	v42 =	vld [tilespmem:s11+$0x0];
	v60 =	vperm.xlane v25, v0;
	v43 =	vsel vm0, v26, v20;
	v20 =	vperm.xlane v41, v1  }
0x2e: {  	v44 =	vperm.xlane v28, v0;
	v39 =	vsel vm0, v33, v39;
	v40 =	vsel vm0, v34, v40  }
0x2f: {  	v46 =	vperm.xlane v39, v1;
	v45 =	vperm.xlane v43, v1;
	v47 =	vsel vm1, v40, v20  }
0x30: {  	v48 =	vsel vm0, v35, v60;
	v49 =	vsel vm0, v36, v44;
	v20 =	vperm.xlane v47, v2  }
0x31: {  	v61 =	vperm.xlane v38, v1;
	v46 =	vsel vm1, v49, v46;
	v45 =	vsel vm1, v48, v45  }
0x32: {  	v37 =	vsel vm0, v42, v37;
	v62 =	vperm.xlane v45, v2;
	v20 =	vsel vm2, v46, v20  }
0x33: {  	v50 =	vsel vm1, v37, v61;
	v51 =	vperm.xlane v20, v3  }
0x34: {  	v21 =	vsel vm2, v50, v62  }
0x35: {  	v63 =	vperm.xlane v26, v0;
	v44 =	vsel vm3, v21, v51  }
0x36: {  	v53 =	vperm.xlane v36, v0;
	v32 =	vperm.xlane v32, v0;
	v44 =	vsub.f32 $0.0e+00, v44  }
0x37: {  	v42 =	vperm.xlane v42, v0;
	v23 =	vperm.xlane v23, v0  }
0x38: {  	v35 =	vperm.xlane v35, v0;
	v51 =	vmul.f32 $1.442695020e+00, v44  }
0x39: {  	v33 =	vperm.xlane v33, v0;
	v34 =	vperm.xlane v34, v0;
	v30 =	vsel vm0, v32, v30  }
0x3a: {  	v27 =	vsel vm0, v63, v27;
	v52 =	vperm.xlane v30, v1;
	(erf) = vpow2.f32 v51  }
0x3b: {  	v54 =	vperm.xlane v27, v1;
	v29 =	vsel vm0, v33, v29;
	v31 =	vsel vm0, v34, v31  }
0x3c: {  	v24 =	vsel vm0, v23, v24;
	v33 =	vperm.xlane v29, v1;
	v36 =	vsel vm1, v31, v52  }
0x3d: {  	v25 =	vsel vm0, v35, v25;
	v26 =	vsel vm0, v53, v28;
	v23 =	vperm.xlane v36, v2  }
0x3e: {  	v55 =	vperm.xlane v24, v1;
	v35 =	vsel vm1, v25, v54;
	v33 =	vsel vm1, v26, v33  }
0x3f: {  	v22 =	vsel vm0, v42, v22;
	v32 =	vperm.xlane v35, v2;
	v42 =	vsel vm2, v33, v23  }
0x40: {  	v23 =	vperm.xlane v42, v3;
	v51 =	vsel vm1, v22, v55  }
0x41: {  	v44 =	vsel vm2, v51, v32  }
0x42: {  	v23 =	vsel vm3, v44, v23  }
0x43: {  	v23 =	vsub.f32 $0.0e+00, v23;
	v56 =	vpop (erf)  }
0x44: {  	v28 =	vadd.f32 $1.000000000e+00, v56  }
0x45: {  	v23 =	vmul.f32 $1.442695020e+00, v23  }
0x46: {  	(erf) = vrcp.f32 v28  }
0x47: {  	v57 =	vperm.xlane v40, v1;
	(erf) = vpow2.f32 v23;
	_ =	sdelay $0x1  }
0x48: {  	v58 =	vperm.xlane v48, v1;
	v59 =	vperm.xlane v49, v1;
	v48 =	vsel vm1, v57, v41  }
0x49: {  	v28 =	vperm.xlane v48, v2  }
0x4a: {  	v60 =	vperm.xlane v37, v1;
	v37 =	vsel vm1, v58, v43;
	v49 =	vsel vm1, v59, v39  }
0x4b: {  	v61 =	vperm.xlane v37, v2;
	v23 =	vsel vm2, v49, v28  }
0x4c: {  	v38 =	vsel vm1, v60, v38;
	v28 =	vperm.xlane v23, v3  }
0x4d: {  	v43 =	vsel vm2, v38, v61  }
0x4e: {  	v28 =	vsel vm3, v43, v28;
	v52 =	vpop (erf)  }
0x4f: {  	v28 =	vsub.f32 $0.0e+00, v28;
	v62 =	vpop (erf)  }
0x50: {  	v32 =	vadd.f32 $1.000000000e+00, v62  }
0x51: {  	v28 =	vmul.f32 $1.442695020e+00, v28  }
0x52: {  	(erf) = vrcp.f32 v32  }
0x53: {  	v31 =	vperm.xlane v31, v1;
	(erf) = vpow2.f32 v28;
	_ =	sdelay $0x1  }
0x54: {  	v25 =	vperm.xlane v25, v1;
	v26 =	vperm.xlane v26, v1;
	v30 =	vsel vm1, v31, v30  }
0x55: {  	v63 =	vperm.xlane v30, v2  }
0x56: {  	v53 =	vsel vm1, v25, v27;
	v27 =	vsel vm1, v26, v29;
	v22 =	vperm.xlane v22, v1  }
0x57: {  	v25 =	vperm.xlane v53, v2;
	v26 =	vsel vm2, v27, v63  }
0x58: {  	v54 =	vsel vm1, v22, v24;
	v28 =	vperm.xlane v26, v3  }
0x59: {  	v24 =	vsel vm2, v54, v25  }
0x5a: {  	v22 =	vsel vm3, v24, v28;
	v55 =	vpop (erf)  }
0x5b: {  	v22 =	vsub.f32 $0.0e+00, v22;
	v29 =	vpop (erf)  }
0x5c: {  	v25 =	vadd.f32 $1.000000000e+00, v29  }
0x5d: {  	v22 =	vmul.f32 $1.442695020e+00, v22  }
0x5e: {  	(erf) = vrcp.f32 v25  }
0x5f: {  	(erf) = vpow2.f32 v22;
	_ =	sdelay $0x2  }
0x60: {  	v31 =	vperm.xlane v46, v2;
	_ =	sdelay $0x1  }
0x61: {  	v32 =	vperm.xlane v50, v2;
	v29 =	vsel vm2, v31, v47  }
0x62: {  	v34 =	vperm.xlane v29, v3  }
0x63: {  	v41 =	vsel vm2, v32, v45;
	v22 =	vadd.f32 $0.0e+00, v4  }
0x64: {  	v28 =	vsel vm3, v41, v34;
	v47 =	vpop (erf)  }
0x65: {  	v45 =	vsub.f32 $0.0e+00, v28;
	v25 =	vadd.f32 v22, v5;
	v40 =	vpop (erf)  }
0x66: {  	v31 =	vadd.f32 $1.000000000e+00, v40  }
0x67: {  	v46 =	vmul.f32 $1.442695020e+00, v45;
	v28 =	vadd.f32 v25, v6  }
0x68: {  	(erf) = vrcp.f32 v31  }
0x69: {  	v32 =	vadd.f32 v28, v7;
	(erf) = vpow2.f32 v46;
	_ =	sdelay $0x1  }
0x6a: {  	v34 =	vadd.f32 v32, v8  }
0x6b: {  	v50 =	vperm.xlane v33, v2  }
0x6c: {  	v39 =	vadd.f32 v34, v9  }
0x6d: {  	v56 =	vperm.xlane v51, v2;
	v31 =	vsel vm2, v50, v36  }
0x6e: {  	v45 =	vadd.f32 v39, v10;
	v36 =	vperm.xlane v31, v3  }
0x6f: {  	v40 =	vsel vm2, v56, v35  }
0x70: {  	v46 =	vadd.f32 v45, v11;
	v33 =	vsel vm3, v40, v36;
	v50 =	vpop (erf)  }
0x71: {  	v33 =	vsub.f32 $0.0e+00, v33;
	v57 =	vpop (erf)  }
0x72: {  	v51 =	vadd.f32 v46, v12;
	v35 =	vadd.f32 $1.000000000e+00, v57  }
0x73: {  	v33 =	vmul.f32 $1.442695020e+00, v33  }
0x74: {  	v56 =	vadd.f32 v51, v13;
	(erf) = vrcp.f32 v35  }
0x75: {  	(erf) = vpow2.f32 v33  }
0x76: {  	v57 =	vadd.f32 v56, v14;
	_ =	sdelay $0x1  }
0x77: {  	v58 =	vperm.xlane v49, v2;
	v49 =	vadd.f32 v57, v15;
	_ =	sdelay $0x1  }
0x78: {  	v59 =	vperm.xlane v38, v2;
	v36 =	vsel vm2, v58, v48;
	v33 =	vadd.f32 v49, v16  }
0x79: {  	v60 =	vperm.xlane v36, v3  }
0x7a: {  	v37 =	vsel vm2, v59, v37;
	v48 =	vadd.f32 v33, v17  }
0x7b: {  	v35 =	vsel vm3, v37, v60;
	v58 =	vpop (erf)  }
0x7c: {  	v35 =	vsub.f32 $0.0e+00, v35;
	v61 =	vadd.f32 v48, v18;
	v59 =	vpop (erf)  }
0x7d: {  	v59 =	vadd.f32 $1.000000000e+00, v59  }
0x7e: {  	v60 =	vsub.f32 $1.000000000e+00, v19;
	v35 =	vmul.f32 $1.442695020e+00, v35;
	v38 =	vadd.f32 $-1.400000000e+01, v61  }
0x7f: {  	v61 =	vsub.f32 $1.000000000e+00, v52;
	(erf) = vrcp.f32 v59  }
0x80: {  	v62 =	vmin.f32 v60, $1.000000000e+00;
	v38 =	vmax.f32 v38, $0.0e+00;
	(erf) = vpow2.f32 v35  }
0x81: {  	v63 =	vmul.f32 v61, v38;
	v59 =	vmul.f32 v52, v62;
	_ =	sdelay $0x1  }
0x82: {  	v60 =	vperm.xlane v27, v2;
	v27 =	vadd.f32 v63, v59  }
0x83: {  	v61 =	vperm.xlane v54, v2  }
0x84: {  	v62 =	vadd.f32 $-1.300000000e+01, v48;
	v35 =	vsel vm2, v60, v30;
	v52 =	vadd.f32 $0.0e+00, v27  }
0x85: {  	v54 =	vsub.f32 $1.000000000e+00, v18;
	v63 =	vperm.xlane v35, v3  }
0x86: {  	v38 =	vsel vm2, v61, v53;
	v30 =	vsub.f32 v62, v52;
	v59 =	vsub.f32 $1.000000000e+00, v52  }
0x87: {  	v53 =	vsub.f32 $1.000000000e+00, v55;
	v48 =	vsel vm3, v38, v63;
	v60 =	vpop (erf)  }
0x88: {  	v48 =	vsub.f32 $0.0e+00, v48;
	v30 =	vmax.f32 v30, $0.0e+00;
	v54 =	vmin.f32 v59, v54;
	v61 =	vpop (erf)  }
0x89: {  	v30 =	vmul.f32 v30, v53;
	v54 =	vmul.f32 v54, v55;
	v59 =	vadd.f32 $1.000000000e+00, v61  }
0x8a: {  	v48 =	vmul.f32 $1.442695020e+00, v48  }
0x8b: {  	v30 =	vadd.f32 v54, v30;
	(erf) = vrcp.f32 v59  }
0x8c: {  	(erf) = vpow2.f32 v48  }
0x8d: {  	v33 =	vadd.f32 $-1.200000000e+01, v33;
	v48 =	vadd.f32 v30, v52  }
0x8e: {  	v61 =	vsub.f32 $1.000000000e+00, v17  }
0x8f: {  	v33 =	vsub.f32 v33, v48;
	v62 =	vsub.f32 $1.000000000e+00, v48  }
0x90: {  	v63 =	vsub.f32 $1.000000000e+00, v47  }
0x91: {  	v21 =	vperm.xlane v21, v3;
	v52 =	vmin.f32 v62, v61;
	v33 =	vmax.f32 v33, $0.0e+00  }
0x92: {  	v33 =	vmul.f32 v33, v63;
	v47 =	vmul.f32 v52, v47;
	_ =	sdelay $0x1  }
0x93: {  	v20 =	vsel vm3, v21, v20;
	v33 =	vadd.f32 v47, v33;
	v52 =	vpop (erf)  }
0x94: {  	v20 =	vsub.f32 $0.0e+00, v20;
	v61 =	vadd.f32 $-1.100000000e+01, v49;
	v59 =	vpop (erf)  }
0x95: {  	v47 =	vadd.f32 v33, v48;
	v21 =	vadd.f32 $1.000000000e+00, v59  }
0x96: {  	v20 =	vmul.f32 $1.442695020e+00, v20;
	v62 =	vsub.f32 $1.000000000e+00, v16  }
0x97: {  	v63 =	vsub.f32 v61, v47;
	v53 =	vsub.f32 $1.000000000e+00, v47;
	(erf) = vrcp.f32 v21  }
0x98: {  	(erf) = vpow2.f32 v20;
	v20 =	vsub.f32 $1.000000000e+00, v50  }
0x99: {  	v21 =	vmax.f32 v63, $0.0e+00;
	v48 =	vmin.f32 v53, v62  }
0x9a: {  	v54 =	vmul.f32 v48, v50;
	v20 =	vmul.f32 v21, v20;
	_ =	sdelay $0x1  }
0x9b: {  	v20 =	vadd.f32 v54, v20;
	_ =	sdelay $0x1  }
0x9c: {  	v57 =	vadd.f32 $-1.000000000e+01, v57;
	v55 =	vperm.xlane v44, v3;
	v44 =	vadd.f32 v20, v47  }
0x9d: {  	v59 =	vsub.f32 $1.000000000e+00, v58  }
0x9e: {  	v61 =	vsub.f32 $1.000000000e+00, v15;
	v21 =	vsel vm3, v55, v42;
	v49 =	vpop (erf);
	v47 =	vsub.f32 v57, v44  }
0x9f: {  	v21 =	vsub.f32 $0.0e+00, v21;
	v63 =	vsub.f32 $1.000000000e+00, v44;
	v62 =	vpop (erf)  }
0xa0: {  	v50 =	vadd.f32 $1.000000000e+00, v62;
	v47 =	vmax.f32 v47, $0.0e+00  }
0xa1: {  	v21 =	vmul.f32 $1.442695020e+00, v21;
	v48 =	vmin.f32 v63, v61;
	v42 =	vmul.f32 v47, v59  }
0xa2: {  	v54 =	vmul.f32 v48, v58;
	(erf) = vrcp.f32 v50  }
0xa3: {  	(erf) = vpow2.f32 v21  }
0xa4: {  	v21 =	vadd.f32 v54, v42;
	_ =	sdelay $0x1  }
0xa5: {  	v55 =	vadd.f32 $-9.000000000e+00, v56;
	v42 =	vadd.f32 v21, v44  }
0xa6: {  	v56 =	vsub.f32 $1.000000000e+00, v14  }
0xa7: {  	v44 =	vsub.f32 v55, v42;
	v57 =	vsub.f32 $1.000000000e+00, v42  }
0xa8: {  	v43 =	vperm.xlane v43, v3;
	v58 =	vsub.f32 $1.000000000e+00, v60  }
0xa9: {  	v59 =	vmax.f32 v44, $0.0e+00;
	v61 =	vmin.f32 v57, v56  }
0xaa: {  	v23 =	vsel vm3, v43, v23;
	v43 =	vmul.f32 v59, v58;
	v44 =	vmul.f32 v61, v60;
	v47 =	vpop (erf)  }
0xab: {  	v63 =	vsub.f32 $0.0e+00, v23;
	v62 =	vpop (erf)  }
0xac: {  	v23 =	vadd.f32 v44, v43;
	v48 =	vadd.f32 $1.000000000e+00, v62  }
0xad: {  	v53 =	vmul.f32 $1.442695020e+00, v63  }
0xae: {  	v42 =	vadd.f32 v23, v42;
	(erf) = vrcp.f32 v48  }
0xaf: {  	v54 =	vadd.f32 $-8.000000000e+00, v51;
	(erf) = vpow2.f32 v53  }
0xb0: {  	v55 =	vsub.f32 $1.000000000e+00, v13;
	v56 =	vsub.f32 $1.000000000e+00, v42;
	_ =	sdelay $0x1  }
0xb1: {  	v44 =	vsub.f32 v54, v42;
	v43 =	vmin.f32 v56, v55  }
0xb2: {  	v57 =	vsub.f32 $1.000000000e+00, v52;
	v43 =	vmul.f32 v43, v52  }
0xb3: {  	v44 =	vmax.f32 v44, $0.0e+00  }
0xb4: {  	v58 =	vperm.xlane v24, v3;
	v44 =	vmul.f32 v44, v57;
	_ =	sdelay $0x1  }
0xb5: {  	v26 =	vsel vm3, v58, v26;
	v24 =	vadd.f32 v43, v44;
	v43 =	vpop (erf)  }
0xb6: {  	v46 =	vadd.f32 $-7.000000000e+00, v46;
	v26 =	vsub.f32 $0.0e+00, v26;
	v59 =	vpop (erf)  }
0xb7: {  	v42 =	vadd.f32 v24, v42;
	v44 =	vadd.f32 $1.000000000e+00, v59  }
0xb8: {  	v60 =	vsub.f32 $1.000000000e+00, v12;
	v26 =	vmul.f32 $1.442695020e+00, v26  }
0xb9: {  	v46 =	vsub.f32 v46, v42;
	v61 =	vsub.f32 $1.000000000e+00, v42;
	(erf) = vrcp.f32 v44  }
0xba: {  	v62 =	vsub.f32 $1.000000000e+00, v49;
	(erf) = vpow2.f32 v26  }
0xbb: {  	v63 =	vmax.f32 v46, $0.0e+00;
	v50 =	vmin.f32 v61, v60  }
0xbc: {  	v51 =	vmul.f32 v50, v49;
	v26 =	vmul.f32 v63, v62;
	_ =	sdelay $0x1  }
0xbd: {  	v41 =	vperm.xlane v41, v3;
	v26 =	vadd.f32 v51, v26;
	_ =	sdelay $0x1  }
0xbe: {  	v29 =	vsel vm3, v41, v29;
	v52 =	vadd.f32 $-6.000000000e+00, v45;
	v42 =	vadd.f32 v26, v42  }
0xbf: {  	v29 =	vsub.f32 $0.0e+00, v29;
	v54 =	vsub.f32 $1.000000000e+00, v11  }
0xc0: {  	v44 =	vsub.f32 v52, v42;
	v56 =	vsub.f32 $1.000000000e+00, v42;
	v55 =	vpop (erf)  }
0xc1: {  	v29 =	vmul.f32 $1.442695020e+00, v29;
	v53 =	vsub.f32 $1.000000000e+00, v47;
	v57 =	vpop (erf)  }
0xc2: {  	v44 =	vmax.f32 v44, $0.0e+00;
	v41 =	vmin.f32 v56, v54;
	v49 =	vadd.f32 $1.000000000e+00, v57  }
0xc3: {  	v44 =	vmul.f32 v44, v53;
	v41 =	vmul.f32 v41, v47  }
0xc4: {  	(erf) = vrcp.f32 v49  }
0xc5: {  	(erf) = vpow2.f32 v29;
	v29 =	vadd.f32 v41, v44;
	_ =	sdelay $0x1  }
0xc6: {  	v39 =	vadd.f32 $-5.000000000e+00, v39;
	v41 =	vadd.f32 v29, v42  }
0xc7: {  	v58 =	vsub.f32 $1.000000000e+00, v10  }
0xc8: {  	v39 =	vsub.f32 v39, v41;
	v59 =	vsub.f32 $1.000000000e+00, v41  }
0xc9: {  	v60 =	vsub.f32 $1.000000000e+00, v43  }
0xca: {  	v40 =	vperm.xlane v40, v3;
	v39 =	vmax.f32 v39, $0.0e+00;
	v42 =	vmin.f32 v59, v58  }
0xcb: {  	v39 =	vmul.f32 v39, v60;
	v61 =	vmul.f32 v42, v43  }
0xcc: {  	v31 =	vsel vm3, v40, v31;
	v62 =	vpop (erf)  }
0xcd: {  	v48 =	vsub.f32 $0.0e+00, v31;
	v63 =	vpop (erf);
	v31 =	vadd.f32 v61, v39  }
0xce: {  	v49 =	vadd.f32 $1.000000000e+00, v63  }
0xcf: {  	v34 =	vadd.f32 $-4.000000000e+00, v34;
	v50 =	vmul.f32 $1.442695020e+00, v48;
	v41 =	vadd.f32 v31, v41  }
0xd0: {  	v51 =	vsub.f32 $1.000000000e+00, v9;
	(erf) = vrcp.f32 v49  }
0xd1: {  	(erf) = vpow2.f32 v50;
	v34 =	vsub.f32 v34, v41;
	v52 =	vsub.f32 $1.000000000e+00, v41  }
0xd2: {  	v53 =	vsub.f32 $1.000000000e+00, v55  }
0xd3: {  	v34 =	vmax.f32 v34, $0.0e+00;
	v39 =	vmin.f32 v52, v51  }
0xd4: {  	v34 =	vmul.f32 v34, v53;
	v39 =	vmul.f32 v39, v55;
	_ =	sdelay $0x1  }
0xd5: {  	v37 =	vperm.xlane v37, v3;
	v34 =	vadd.f32 v39, v34;
	_ =	sdelay $0x1  }
0xd6: {  	v32 =	vadd.f32 $-3.000000000e+00, v32;
	v36 =	vsel vm3, v37, v36;
	v54 =	vadd.f32 v34, v41  }
0xd7: {  	v36 =	vsub.f32 $0.0e+00, v36;
	v57 =	vsub.f32 $1.000000000e+00, v8;
	v55 =	vpop (erf)  }
0xd8: {  	v59 =	vsub.f32 $1.000000000e+00, v62;
	v56 =	vpop (erf);
	v32 =	vsub.f32 v32, v54  }
0xd9: {  	v58 =	vsub.f32 $1.000000000e+00, v54;
	v40 =	vadd.f32 $1.000000000e+00, v56  }
0xda: {  	v36 =	vmul.f32 $1.442695020e+00, v36;
	v32 =	vmax.f32 v32, $0.0e+00  }
0xdb: {  	v60 =	vmin.f32 v58, v57;
	(erf) = vrcp.f32 v40;
	v32 =	vmul.f32 v32, v59  }
0xdc: {  	v61 =	vmul.f32 v60, v62;
	(erf) = vpow2.f32 v36;
	_ =	sdelay $0x1  }
0xdd: {  	v32 =	vadd.f32 v61, v32;
	_ =	sdelay $0x1  }
0xde: {  	v28 =	vadd.f32 $-2.000000000e+00, v28;
	v36 =	vadd.f32 v32, v54  }
0xdf: {  	v63 =	vsub.f32 $1.000000000e+00, v7  }
0xe0: {  	v62 =	vperm.xlane v38, v3;
	v28 =	vsub.f32 v28, v36;
	v44 =	vsub.f32 $1.000000000e+00, v36  }
0xe1: {  	v45 =	vsub.f32 $1.000000000e+00, v55  }
0xe2: {  	v35 =	vsel vm3, v62, v35;
	v28 =	vmax.f32 v28, $0.0e+00;
	v38 =	vmin.f32 v44, v63;
	v46 =	vpop (erf)  }
0xe3: {  	v35 =	vsub.f32 $0.0e+00, v35;
	v28 =	vmul.f32 v28, v45;
	v48 =	vmul.f32 v38, v55;
	v47 =	vpop (erf)  }
0xe4: {  	v49 =	vadd.f32 $1.000000000e+00, v47  }
0xe5: {  	v35 =	vmul.f32 $1.442695020e+00, v35;
	v28 =	vadd.f32 v48, v28  }
0xe6: {  	(erf) = vrcp.f32 v49  }
0xe7: {  	v25 =	vadd.f32 $-1.000000000e+00, v25;
	v50 =	vadd.f32 v28, v36;
	(erf) = vpow2.f32 v35  }
0xe8: {  	v51 =	vsub.f32 $1.000000000e+00, v6  }
0xe9: {  	v25 =	vsub.f32 v25, v50;
	v52 =	vsub.f32 $1.000000000e+00, v50  }
0xea: {  	v53 =	vsub.f32 $1.000000000e+00, v46  }
0xeb: {  	v19 =	vadd.f32 v27, v19;
	v25 =	vmax.f32 v25, $0.0e+00;
	v36 =	vmin.f32 v52, v51  }
0xec: {  	v18 =	vadd.f32 v30, v18;
	v25 =	vmul.f32 v25, v53;
	v36 =	vmul.f32 v36, v46  }
0xed: {  	v17 =	vadd.f32 v33, v17;
	v43 =	vperm.xlane v30, v0;
	v56 =	vsub.f32 $1.000000000e+00, v5  }
0xee: {  	v61 =	vsub.f32 $1.000000000e+00, v4;
	v44 =	vperm.xlane v27, v0;
	v25 =	vadd.f32 v36, v25  }
0xef: {  	v27 =	vsel vm0, v27, v43;
	v45 =	vperm.xlane v20, v0;
	v49 =	vperm.xlane v26, v0;
	v54 =	vpop (erf)  }
0xf0: {  	v30 =	vsel vm0, v44, v30;
	v47 =	vperm.xlane v23, v0;
	v35 =	vadd.f32 v25, v50;
	v55 =	vpop (erf)  }
0xf1: {  	v48 =	vperm.xlane v21, v0;
	v39 =	vsel vm0, v24, v49;
	v36 =	vadd.f32 $1.000000000e+00, v55  }
0xf2: {  	v51 =	vperm.xlane v31, v0;
	v22 =	vsub.f32 v22, v35;
	v57 =	vsub.f32 $1.000000000e+00, v35  }
0xf3: {  	v52 =	vperm.xlane v29, v0;
	v46 =	vperm.xlane v33, v0;
	v58 =	vsub.f32 $1.000000000e+00, v54  }
0xf4: {  	(erf) = vrcp.f32 v36;
	v22 =	vmax.f32 v22, $0.0e+00;
	v38 =	vmin.f32 v57, v56  }
0xf5: {  	v33 =	vsel vm0, v33, v45;
	v22 =	vmul.f32 v22, v58;
	v59 =	vmul.f32 v38, v54  }
0xf6: {  	v53 =	vperm.xlane v32, v0;
	v41 =	vsel vm0, v29, v51;
	v50 =	vperm.xlane v24, v0  }
0xf7: {  	v37 =	vsel vm0, v46, v20;
	v55 =	vperm.xlane v25, v0;
	v22 =	vadd.f32 v59, v22  }
0xf8: {  	v43 =	vsel vm0, v34, v53;
	v40 =	vsel vm0, v50, v26;
	v36 =	vsel vm0, v21, v47  }
0xf9: {  	v56 =	vperm.xlane v28, v0;
	v45 =	vsel vm0, v28, v55;
	v35 =	vadd.f32 v22, v35  }
0xfa: {  	v38 =	vsel vm0, v48, v23;
	v54 =	vperm.xlane v34, v0;
	v55 =	vperm.xlane v36, v1  }
0xfb: {  	v46 =	vsel vm0, v56, v25;
	v59 =	vperm.xlane v33, v1;
	v35 =	vsub.f32 $1.000000000e+00, v35  }
0xfc: {  	v56 =	vperm.xlane v43, v1;
	v44 =	vsel vm0, v54, v32;
	v58 =	vperm.xlane v22, v0  }
0xfd: {  	v49 =	vsel vm1, v27, v59;
	v27 =	vperm.xlane v27, v1;
	v60 =	vpop (erf);
	v63 =	vmax.f32 v35, $0.0e+00  }
0xfe: {  	v35 =	vmin.f32 v35, v61;
	v61 =	vperm.xlane v30, v1;
	v62 =	vsub.f32 $1.000000000e+00, v60  }
0xff: {  	v27 =	vsel vm1, v27, v33;
	v35 =	vmul.f32 v35, v60;
	v60 =	vperm.xlane v37, v1  }
0x100: {  	v33 =	vsel vm1, v61, v37;
	v42 =	vmul.f32 v63, v62;
	v62 =	vperm.xlane v39, v1  }
0x101: {  	v37 =	vsel vm1, v55, v39;
	v30 =	vsel vm1, v30, v60;
	v63 =	vperm.xlane v40, v1  }
0x102: {  	v35 =	vadd.f32 v35, v42;
	v42 =	vsel vm0, v52, v31;
	v36 =	vsel vm1, v36, v62  }
0x103: {  	v50 =	vsel vm1, v38, v63;
	v38 =	vperm.xlane v38, v1;
	v62 =	vperm.xlane v46, v1  }
0x104: {  	v39 =	vsel vm1, v41, v56;
	v59 =	vperm.xlane v42, v1;
	v63 =	vperm.xlane v36, v2  }
0x105: {  	v56 =	vperm.xlane v50, v2;
	v57 =	vperm.xlane v35, v0;
	v48 =	vsel vm0, v58, v35  }
0x106: {  	v38 =	vsel vm1, v38, v40;
	v58 =	vperm.xlane v41, v1;
	v61 =	vperm.xlane v48, v1  }
0x107: {  	v55 =	vperm.xlane v38, v2;
	v47 =	vsel vm0, v22, v57;
	v57 =	vperm.xlane v44, v1  }
0x108: {  	v40 =	vsel vm1, v58, v43;
	v43 =	vsel vm1, v59, v44;
	v58 =	vperm.xlane v37, v2  }
0x109: {  	v60 =	vperm.xlane v47, v1;
	v44 =	vsel vm1, v46, v61;
	v46 =	vsel vm2, v49, v63  }
0x10a: {  	v41 =	vsel vm1, v42, v57;
	v57 =	vperm.xlane v49, v2;
	v49 =	vsel vm2, v30, v56  }
0x10b: {  	v30 =	vperm.xlane v30, v2;
	v42 =	vsel vm1, v45, v60;
	v45 =	vperm.xlane v45, v1  }
0x10c: {  	v63 =	vperm.xlane v43, v2;
	v51 =	vsel vm2, v27, v58;
	v60 =	vperm.xlane v44, v2  }
0x10d: {  	v59 =	vperm.xlane v42, v2;
	v30 =	vsel vm2, v30, v50;
	v45 =	vsel vm1, v45, v47  }
0x10e: {  	v47 =	vsel vm1, v62, v48;
	v50 =	vsel vm2, v41, v60;
	v41 =	vperm.xlane v41, v2  }
0x10f: {  	v36 =	vsel vm2, v57, v36;
	v61 =	vperm.xlane v45, v2;
	v62 =	vperm.xlane v47, v2  }
0x110: {  	v48 =	vsel vm2, v39, v59;
	v39 =	vperm.xlane v39, v2;
	v56 =	vperm.xlane v50, v3  }
0x111: {  	v41 =	vsel vm2, v41, v44;
	v54 =	vperm.xlane v48, v3;
	v44 =	vsel vm2, v33, v55  }
0x112: {  	v52 =	vsel vm2, v40, v61;
	v53 =	vsel vm2, v43, v62;
	v40 =	vperm.xlane v40, v2  }
0x113: {  	v39 =	vsel vm2, v39, v42;
	v43 =	vsel vm3, v46, v54;
	v57 =	vperm.xlane v52, v3  }
0x114: {  	v58 =	vperm.xlane v53, v3;
	v40 =	vsel vm2, v40, v45;
	v45 =	vsel vm3, v49, v56;
	[tilespmem:s11+$0x1000] =	vst v43  }
0x115: {  	v42 =	vsel vm2, v63, v47;
	v59 =	vperm.xlane v39, v3;
	v47 =	vsel vm3, v51, v57;
	[tilespmem:s19+$0x1000] =	vst v45  }
0x116: {  	v27 =	vperm.xlane v27, v2;
	v60 =	vperm.xlane v41, v3;
	v43 =	vsel vm3, v44, v58;
	[tilespmem:s11+$0x1100] =	vst v47  }
0x117: {  	v33 =	vperm.xlane v33, v2;
	v45 =	vsel vm3, v36, v59;
	v61 =	vperm.xlane v40, v3;
	[tilespmem:s18+$0x1000] =	vst v43  }
0x118: {  	v27 =	vsel vm2, v27, v37;
	v63 =	vperm.xlane v42, v3;
	v62 =	vsel vm3, v30, v60;
	[tilespmem:s11+$0x1200] =	vst v45  }
0x119: {  	v33 =	vsel vm2, v33, v38;
	v46 =	vperm.xlane v46, v3;
	v45 =	vsel vm3, v27, v61;
	[tilespmem:s17+$0x1000] =	vst v62  }
0x11a: {  	v16 =	vadd.f32 v20, v16;
	v49 =	vperm.xlane v49, v3;
	v20 =	vsel vm3, v33, v63;
	[tilespmem:s11+$0x1300] =	vst v45  }
0x11b: {  	v15 =	vadd.f32 v21, v15;
	v55 =	vperm.xlane v51, v3;
	v54 =	vsel vm3, v46, v48;
	[tilespmem:s16+$0x1000] =	vst v20  }
0x11c: {  	v14 =	vadd.f32 v23, v14;
	v56 =	vperm.xlane v44, v3;
	v20 =	vsel vm3, v49, v50;
	[tilespmem:s11+$0x1800] =	vst v54  }
0x11d: {  	v13 =	vadd.f32 v24, v13;
	v57 =	vsel vm3, v55, v52;
	v58 =	vperm.xlane v36, v3;
	[tilespmem:s15+$0x1000] =	vst v20  }
0x11e: {  	p0 =	sne.s32 s10, $0xF0;
	v12 =	vadd.f32 v26, v12;
	v59 =	vperm.xlane v30, v3;
	v20 =	vsel vm3, v56, v53;
	[tilespmem:s11+$0x1900] =	vst v57  }
.Ltmp0:
0x11f: {  	v11 =	vadd.f32 v29, v11;
	v60 =	vsel vm3, v58, v39;
	v61 =	vperm.xlane v27, v3;
	[tilespmem:s14+$0x1000] =	vst v20;
	(pc) =	sbr.rel @p0 .LBB2_2-.Ltmp0, $4  }
0x120: {  	v10 =	vadd.f32 v31, v10;
	v62 =	vperm.xlane v33, v3;
	v20 =	vsel vm3, v59, v41;
	[tilespmem:s11+$0x1A00] =	vst v60  }
0x121: {  	v9 =	vadd.f32 v34, v9;
	v8 =	vadd.f32 v32, v8;
	v63 =	vsel vm3, v61, v40;
	[tilespmem:s13+$0x1000] =	vst v20  }
0x122: {  	v7 =	vadd.f32 v28, v7;
	v6 =	vadd.f32 v25, v6;
	v20 =	vsel vm3, v62, v42;
	[tilespmem:s11+$0x1B00] =	vst v63  }
0x123: {  	s9 =	sadd.s32 $0x80, s9;
	s10 =	sadd.s32 $0x10, s10;
	v5 =	vadd.f32 v22, v5;
	v4 =	vadd.f32 v35, v4;
	[tilespmem:s12+$0x1000] =	vst v20  }
0x124: {  	s8 =	sadd.s32 $0x1, s8  }
0x125: {  	p0 =	sne.s32 s8, s5  }
.Ltmp1:
0x126: {  	_ = 	snop;
	(pc) =	sbr.rel @p0 .LBB2_1-.Ltmp1, $4  }
0x127: {  	[hbm4b:s4+s2] =	stream.linear.scatter [tilespmem:s7], [sflag:$0x1], $0x1000, $0x38;
	[tilespmem:$0x2000] =	vst v63  }
0x128: {  	_ =	swait.ge [sflag:s6], $0x1000  }
0x129: {  	[sflag:s6] =	ssyncset.done $0x0  }
0x12a: {  	[sflag:s6] =	ssyncadd.s32 $0xFFFFF000  }
0x12b: {  	_ =	sfence.sel $0x180000  }
0x12c: {  	[bflag:$0x0] =	sbarrier.arrive $0xFFFF  }
0x12d: {  	p0 =	sne.s32 s1, $0x0;
	_ =	strace $0x90000047  }
0x12e: {  	s0 =	sadd.s32 @!p0 $0x100000, s0;
	[bflag:$0x2] =	sbarrier.arrive $0xFFFF  }
0x12f: {  	[sflag:s0] =	ssyncadd.tile.s32 @!p0 $0x1;
	_ =	shalt  }
.Lfunc_end2:
_tile_overlayer_lowered:
.L_overlay_start_2:
0x130: {  	(tag) =	ssettag $0x2  }
0x131: {  	s0 =	rddreg [dreg:$0x0];
	s2 =	stileid.u32  }
0x132: {  	s1 =	rddreg [dreg:$0x1];
	p0 =	sne.s32 s2, $0x0  }
0x133: {  	s3 =	rddreg [dreg:$0x2];
	[bflag:$0x3] =	sbarrier.arrive $0xFFFF;
	s2 =	simm.s32 @!p0 $0x1C01  }
0x134: {  	[timem:s3], [sflag:s2] =	dma.local @!p0 [hbm:s0], s1  }
0x135: {  	s0 =	simm.s32 @!p0 $0x1  }
0x136: {  	_ =	swait.ge @!p0 [sflag:s0], s1  }
0x137: {  	s1 =	ssub.s32 @!p0 $0x0, s1;
	[sflag:s0] =	ssyncset.done @!p0 $0x0  }
0x138: {  	[sflag:s0] =	ssyncadd.s32 @!p0 s1  }
0x139: {  	[bflag:$0x3] =	sbarrier.arrive $0xFFFF  }
0x13a: {  	_ =	shalt  }

</sc_bundles>
